<compile_context>
chip_gen: v7x
topology: tpu7x:2x2x1
jax: 0.10.2.dev20260603
libtpu: 0.0.44.dev20260713+nightly
codegen_flags: <defaults>
</compile_context>

<pallas_src>
import jax
import jax.numpy as jnp
from jax import lax
from jax.experimental import pallas as pl
from jax.experimental.pallas import tpu as pltpu
from jax.experimental.pallas import tpu_sc as plsc

_CH = 400
_NBUF = 4


def _make_body(per_w, nc):
    n_grp = per_w // _CH
    assert per_w % _CH == 0 and n_grp >= _NBUF and n_grp % 2 == 0

    def body(idx_hbm, table_hbm, out_hbm, idx_v, rows_v, *sems):
        gsems, wsems = sems[:_NBUF], sems[_NBUF:]
        c = lax.axis_index("c")
        s = lax.axis_index("s")
        wid = s * nc + c
        base = wid * per_w
        pltpu.sync_copy(idx_hbm.at[pl.ds(base, per_w)], idx_v)

        def fire(g):
            b = g % _NBUF
            return pltpu.async_copy(
                table_hbm.at[idx_v.at[pl.ds(g * _CH, _CH)]],
                rows_v.at[b],
                gsems[b],
            )

        def write(g):
            b = g % _NBUF
            return pltpu.async_copy(
                rows_v.at[b],
                out_hbm.at[pl.ds(base + g * _CH, _CH)],
                wsems[b],
            )

        gathers = {0: fire(0), 1: fire(1)}
        writes = {}
        for g in range(n_grp):
            gathers.pop(g).wait()
            writes[g] = write(g)
            if g + 2 < n_grp:
                if g >= 2:
                    writes.pop(g - 2).wait()
                gathers[g + 2] = fire(g + 2)
        for g in sorted(writes):
            writes.pop(g).wait()

    return body


def kernel(x, weight):
    b, h = x.shape
    _, d = weight.shape
    n = b * h
    idx = x.reshape(n).astype(jnp.int32)
    info = plsc.get_sparse_core_info()
    nw = info.num_cores * info.num_subcores
    per_w = n // nw
    out = pl.kernel(
        _make_body(per_w, info.num_cores),
        mesh=plsc.VectorSubcoreMesh(core_axis_name="c", subcore_axis_name="s"),
        compiler_params=pltpu.CompilerParams(use_tc_tiling_on_sc=False),
        out_type=jax.ShapeDtypeStruct((n, d), jnp.float32),
        scratch_types=(
            [pltpu.VMEM((per_w,), jnp.int32),
             pltpu.VMEM((_NBUF, _CH, d), jnp.float32)]
            + [pltpu.SemaphoreType.DMA] * (2 * _NBUF)
        ),
    )(idx, weight)
    return out.reshape(b, h, d)

# --- scband reference (transcript-rebuilt; emitter-appended) ---
"""Pipeline reference for scband-embedding-layer-31628139167813 (READ-ONLY COPY).

The authoritative reference and input builder live on the scoring server;
editing this copy changes nothing except your own understanding.
"""

import jax, jax.numpy as jnp
import numpy as np

ITEM_NUM = 100000
EMBED_DIM = 64
BATCH = 4096
HIST = 50

def setup_inputs(seed: int = 0) -> dict:
    key = jax.random.key(seed)
    k1, k2 = jax.random.split(key)
    # indices in [0, ITEM_NUM); padding_idx == ITEM_NUM is never sampled
    x = jax.random.randint(k1, (BATCH, HIST), 0, ITEM_NUM)
    # nn.Embedding(item_num + 1, embedding_dim, padding_idx=item_num)
    # weight.data.normal_(0.0, 0.0001) overwrites ALL rows including padding row
    weight = jax.random.normal(k2, (ITEM_NUM + 1, EMBED_DIM), dtype=jnp.float32) * 0.0001
    return {"x": x, "weight": weight}

def reference(x, weight):
    # Embedding lookup: gather rows of the table by index
    return jnp.take(weight, x, axis=0)

if __name__ == "__main__":
    import jax
    _d = setup_inputs()
    print(jax.jit(kernel)(*tuple(_d.values())))

</pallas_src>

<mosaic_0001>
#map = affine_map<(d0, d1) -> (0)>
#map1 = affine_map<(d0, d1) -> (0, 0)>
module attributes {stable_mosaic.version = 14 : i64} {
  func.func @body(%arg0: i32, %arg1: i32, %arg2: memref<204800xi32, #tpu.memory_space<hbm>>, %arg3: memref<100001x64xf32, #tpu.memory_space<hbm>>, %arg4: memref<204800x64xf32, #tpu.memory_space<hbm>>, %arg5: memref<6400xi32, #tpu.memory_space<vmem>>, %arg6: memref<4x400x64xf32, #tpu.memory_space<vmem>>, %arg7: memref<!tpu.dma_semaphore, #tpu.memory_space<semaphore_mem>>, %arg8: memref<!tpu.dma_semaphore, #tpu.memory_space<semaphore_mem>>, %arg9: memref<!tpu.dma_semaphore, #tpu.memory_space<semaphore_mem>>, %arg10: memref<!tpu.dma_semaphore, #tpu.memory_space<semaphore_mem>>, %arg11: memref<!tpu.dma_semaphore, #tpu.memory_space<semaphore_mem>>, %arg12: memref<!tpu.dma_semaphore, #tpu.memory_space<semaphore_mem>>, %arg13: memref<!tpu.dma_semaphore, #tpu.memory_space<semaphore_mem>>, %arg14: memref<!tpu.dma_semaphore, #tpu.memory_space<semaphore_mem>>) attributes {dimension_semantics = [#tpu.dimension_semantics<core_parallel>, #tpu.dimension_semantics<subcore_parallel>], iteration_bounds = array<i64: 2, 16>, scalar_prefetch = 0 : i64, scratch_operands = 10 : i64, tpu.core_type = #tpu.core_type<sc_vector_subcore>, window_params = [{transform_indices = #map}, {transform_indices = #map1}, {transform_indices = #map1}]} {
    %mul3A = arith.constant 2 : i32
    %mul3A_0 = arith.muli %arg1, %mul3A : i32
    %add3A = arith.addi %mul3A_0, %arg0 : i32
    %mul3A_1 = arith.constant 6400 : i32
    %mul3A_2 = arith.muli %add3A, %mul3A_1 : i32
    "tpu.region"() ({
      %run_scoped3A = tpu.sem_alloc : memref<!tpu.dma_semaphore, #tpu.memory_space<semaphore_mem>>
      %dma_start3A_769 = tpu.memref_slice %arg2[%mul3A_2] : memref<204800xi32, #tpu.memory_space<hbm>> -> memref<6400xi32, #tpu.memory_space<hbm>>
      %dma_start3A_770 = tpu.memref_slice %arg2[%mul3A_2] : memref<204800xi32, #tpu.memory_space<hbm>> -> memref<6400xi32, #tpu.memory_space<hbm>>
      tpu.enqueue_dma source(%dma_start3A_770 : memref<6400xi32, #tpu.memory_space<hbm>>) target(%arg5 : memref<6400xi32, #tpu.memory_space<vmem>>) target_semaphore(%run_scoped3A : memref<!tpu.dma_semaphore, #tpu.memory_space<semaphore_mem>>)
      %dma_wait3A_771 = tpu.memref_slice %arg2[%mul3A_2] : memref<204800xi32, #tpu.memory_space<hbm>> -> memref<6400xi32, #tpu.memory_space<hbm>>
      %dma_wait3A_772 = tpu.memref_slice %arg2[%mul3A_2] : memref<204800xi32, #tpu.memory_space<hbm>> -> memref<6400xi32, #tpu.memory_space<hbm>>
      tpu.wait_dma2 semaphore(%run_scoped3A : memref<!tpu.dma_semaphore, #tpu.memory_space<semaphore_mem>>) src(%dma_wait3A_772 : memref<6400xi32, #tpu.memory_space<hbm>>) dst(%arg5 : memref<6400xi32, #tpu.memory_space<vmem>>)
      tpu.yield
    }) : () -> ()
    %dma_start3A = arith.constant 0 : i32
    %dma_start3A_3 = arith.constant 0 : i32
    %dma_start3A_4 = arith.constant 0 : i32
    %dma_start3A_5 = tpu.memref_slice %arg6[%dma_start3A, %dma_start3A_3, %dma_start3A_4] : memref<4x400x64xf32, #tpu.memory_space<vmem>> -> memref<1x400x64xf32, #tpu.memory_space<vmem>>
    %dma_start3A_6 = tpu.memref_squeeze %dma_start3A_5 : memref<1x400x64xf32, #tpu.memory_space<vmem>> -> memref<400x64xf32, #tpu.memory_space<vmem>>
    %dma_start3A_7 = arith.constant 0 : i32
    %dma_start3A_8 = tpu.memref_slice %arg5[%dma_start3A_7] : memref<6400xi32, #tpu.memory_space<vmem>> -> memref<400xi32, #tpu.memory_space<vmem>>
    %dma_start3A_9 = arith.constant 0 : i32
    %dma_start3A_10 = arith.constant 0 : i32
    %dma_start3A_11 = tpu.memref_slice %arg3[%dma_start3A_9, %dma_start3A_10] : memref<100001x64xf32, #tpu.memory_space<hbm>> -> memref<100001x64xf32, #tpu.memory_space<hbm>>
    tpu.enqueue_indirect_dma source(%dma_start3A_11 : memref<100001x64xf32, #tpu.memory_space<hbm>>) target(%dma_start3A_6 : memref<400x64xf32, #tpu.memory_space<vmem>>) offsets(%dma_start3A_8 : memref<400xi32, #tpu.memory_space<vmem>>) semaphore(%arg7 : memref<!tpu.dma_semaphore, #tpu.memory_space<semaphore_mem>>)
    %dma_start3A_12 = arith.constant 1 : i32
    %dma_start3A_13 = arith.constant 0 : i32
    %dma_start3A_14 = arith.constant 0 : i32
    %dma_start3A_15 = tpu.memref_slice %arg6[%dma_start3A_12, %dma_start3A_13, %dma_start3A_14] : memref<4x400x64xf32, #tpu.memory_space<vmem>> -> memref<1x400x64xf32, #tpu.memory_space<vmem>>
    %dma_start3A_16 = tpu.memref_squeeze %dma_start3A_15 : memref<1x400x64xf32, #tpu.memory_space<vmem>> -> memref<400x64xf32, #tpu.memory_space<vmem>>
    %dma_start3A_17 = arith.constant 400 : i32
    %dma_start3A_18 = tpu.memref_slice %arg5[%dma_start3A_17] : memref<6400xi32, #tpu.memory_space<vmem>> -> memref<400xi32, #tpu.memory_space<vmem>>
    %dma_start3A_19 = arith.constant 0 : i32
    %dma_start3A_20 = arith.constant 0 : i32
    %dma_start3A_21 = tpu.memref_slice %arg3[%dma_start3A_19, %dma_start3A_20] : memref<100001x64xf32, #tpu.memory_space<hbm>> -> memref<100001x64xf32, #tpu.memory_space<hbm>>
    tpu.enqueue_indirect_dma source(%dma_start3A_21 : memref<100001x64xf32, #tpu.memory_space<hbm>>) target(%dma_start3A_16 : memref<400x64xf32, #tpu.memory_space<vmem>>) offsets(%dma_start3A_18 : memref<400xi32, #tpu.memory_space<vmem>>) semaphore(%arg8 : memref<!tpu.dma_semaphore, #tpu.memory_space<semaphore_mem>>)
    %dma_wait3A = arith.constant 0 : i32
    %dma_wait3A_22 = arith.constant 0 : i32
    %dma_wait3A_23 = arith.constant 0 : i32
    %dma_wait3A_24 = tpu.memref_slice %arg6[%dma_wait3A, %dma_wait3A_22, %dma_wait3A_23] : memref<4x400x64xf32, #tpu.memory_space<vmem>> -> memref<1x400x64xf32, #tpu.memory_space<vmem>>
    %dma_wait3A_25 = tpu.memref_squeeze %dma_wait3A_24 : memref<1x400x64xf32, #tpu.memory_space<vmem>> -> memref<400x64xf32, #tpu.memory_space<vmem>>
    %dma_wait3A_26 = arith.constant 0 : i32
    %dma_wait3A_27 = tpu.memref_slice %arg5[%dma_wait3A_26] : memref<6400xi32, #tpu.memory_space<vmem>> -> memref<400xi32, #tpu.memory_space<vmem>>
    %dma_wait3A_28 = arith.constant 0 : i32
    %dma_wait3A_29 = arith.constant 0 : i32
    %dma_wait3A_30 = tpu.memref_slice %arg3[%dma_wait3A_28, %dma_wait3A_29] : memref<100001x64xf32, #tpu.memory_space<hbm>> -> memref<100001x64xf32, #tpu.memory_space<hbm>>
    tpu.wait_indirect_dma semaphore(%arg7 : memref<!tpu.dma_semaphore, #tpu.memory_space<semaphore_mem>>) src(%dma_wait3A_30 : memref<100001x64xf32, #tpu.memory_space<hbm>>) dst(%dma_wait3A_25 : memref<400x64xf32, #tpu.memory_space<vmem>>)
    %add3A_31 = arith.constant 0 : i32
    %add3A_32 = arith.addi %mul3A_2, %add3A_31 : i32
    %dma_start3A_33 = arith.constant 0 : i32
    %dma_start3A_34 = arith.constant 0 : i32
    %dma_start3A_35 = arith.constant 0 : i32
    %dma_start3A_36 = tpu.memref_slice %arg6[%dma_start3A_33, %dma_start3A_34, %dma_start3A_35] : memref<4x400x64xf32, #tpu.memory_space<vmem>> -> memref<1x400x64xf32, #tpu.memory_space<vmem>>
    %dma_start3A_37 = tpu.memref_squeeze %dma_start3A_36 : memref<1x400x64xf32, #tpu.memory_space<vmem>> -> memref<400x64xf32, #tpu.memory_space<vmem>>
    %dma_start3A_38 = arith.constant 0 : i32
    %dma_start3A_39 = tpu.memref_slice %arg4[%add3A_32, %dma_start3A_38] : memref<204800x64xf32, #tpu.memory_space<hbm>> -> memref<400x64xf32, #tpu.memory_space<hbm>>
    %dma_start3A_40 = arith.constant 0 : i32
    %dma_start3A_41 = tpu.memref_slice %arg4[%add3A_32, %dma_start3A_40] : memref<204800x64xf32, #tpu.memory_space<hbm>> -> memref<400x64xf32, #tpu.memory_space<hbm>>
    %dma_start3A_42 = arith.constant 0 : i32
    %dma_start3A_43 = arith.constant 0 : i32
    %dma_start3A_44 = tpu.memref_slice %arg6[%dma_start3A_33, %dma_start3A_42, %dma_start3A_43] : memref<4x400x64xf32, #tpu.memory_space<vmem>> -> memref<1x400x64xf32, #tpu.memory_space<vmem>>
    %dma_start3A_45 = tpu.memref_squeeze %dma_start3A_44 : memref<1x400x64xf32, #tpu.memory_space<vmem>> -> memref<400x64xf32, #tpu.memory_space<vmem>>
    tpu.enqueue_dma source(%dma_start3A_45 : memref<400x64xf32, #tpu.memory_space<vmem>>) target(%dma_start3A_41 : memref<400x64xf32, #tpu.memory_space<hbm>>) target_semaphore(%arg11 : memref<!tpu.dma_semaphore, #tpu.memory_space<semaphore_mem>>)
    %dma_start3A_46 = arith.constant 2 : i32
    %dma_start3A_47 = arith.constant 0 : i32
    %dma_start3A_48 = arith.constant 0 : i32
    %dma_start3A_49 = tpu.memref_slice %arg6[%dma_start3A_46, %dma_start3A_47, %dma_start3A_48] : memref<4x400x64xf32, #tpu.memory_space<vmem>> -> memref<1x400x64xf32, #tpu.memory_space<vmem>>
    %dma_start3A_50 = tpu.memref_squeeze %dma_start3A_49 : memref<1x400x64xf32, #tpu.memory_space<vmem>> -> memref<400x64xf32, #tpu.memory_space<vmem>>
    %dma_start3A_51 = arith.constant 800 : i32
    %dma_start3A_52 = tpu.memref_slice %arg5[%dma_start3A_51] : memref<6400xi32, #tpu.memory_space<vmem>> -> memref<400xi32, #tpu.memory_space<vmem>>
    %dma_start3A_53 = arith.constant 0 : i32
    %dma_start3A_54 = arith.constant 0 : i32
    %dma_start3A_55 = tpu.memref_slice %arg3[%dma_start3A_53, %dma_start3A_54] : memref<100001x64xf32, #tpu.memory_space<hbm>> -> memref<100001x64xf32, #tpu.memory_space<hbm>>
    tpu.enqueue_indirect_dma source(%dma_start3A_55 : memref<100001x64xf32, #tpu.memory_space<hbm>>) target(%dma_start3A_50 : memref<400x64xf32, #tpu.memory_space<vmem>>) offsets(%dma_start3A_52 : memref<400xi32, #tpu.memory_space<vmem>>) semaphore(%arg9 : memref<!tpu.dma_semaphore, #tpu.memory_space<semaphore_mem>>)
    %dma_wait3A_56 = arith.constant 1 : i32
    %dma_wait3A_57 = arith.constant 0 : i32
    %dma_wait3A_58 = arith.constant 0 : i32
    %dma_wait3A_59 = tpu.memref_slice %arg6[%dma_wait3A_56, %dma_wait3A_57, %dma_wait3A_58] : memref<4x400x64xf32, #tpu.memory_space<vmem>> -> memref<1x400x64xf32, #tpu.memory_space<vmem>>
    %dma_wait3A_60 = tpu.memref_squeeze %dma_wait3A_59 : memref<1x400x64xf32, #tpu.memory_space<vmem>> -> memref<400x64xf32, #tpu.memory_space<vmem>>
    %dma_wait3A_61 = arith.constant 400 : i32
    %dma_wait3A_62 = tpu.memref_slice %arg5[%dma_wait3A_61] : memref<6400xi32, #tpu.memory_space<vmem>> -> memref<400xi32, #tpu.memory_space<vmem>>
    %dma_wait3A_63 = arith.constant 0 : i32
    %dma_wait3A_64 = arith.constant 0 : i32
    %dma_wait3A_65 = tpu.memref_slice %arg3[%dma_wait3A_63, %dma_wait3A_64] : memref<100001x64xf32, #tpu.memory_space<hbm>> -> memref<100001x64xf32, #tpu.memory_space<hbm>>
    tpu.wait_indirect_dma semaphore(%arg8 : memref<!tpu.dma_semaphore, #tpu.memory_space<semaphore_mem>>) src(%dma_wait3A_65 : memref<100001x64xf32, #tpu.memory_space<hbm>>) dst(%dma_wait3A_60 : memref<400x64xf32, #tpu.memory_space<vmem>>)
    %add3A_66 = arith.constant 400 : i32
    %add3A_67 = arith.addi %mul3A_2, %add3A_66 : i32
    %dma_start3A_68 = arith.constant 1 : i32
    %dma_start3A_69 = arith.constant 0 : i32
    %dma_start3A_70 = arith.constant 0 : i32
    %dma_start3A_71 = tpu.memref_slice %arg6[%dma_start3A_68, %dma_start3A_69, %dma_start3A_70] : memref<4x400x64xf32, #tpu.memory_space<vmem>> -> memref<1x400x64xf32, #tpu.memory_space<vmem>>
    %dma_start3A_72 = tpu.memref_squeeze %dma_start3A_71 : memref<1x400x64xf32, #tpu.memory_space<vmem>> -> memref<400x64xf32, #tpu.memory_space<vmem>>
    %dma_start3A_73 = arith.constant 0 : i32
    %dma_start3A_74 = tpu.memref_slice %arg4[%add3A_67, %dma_start3A_73] : memref<204800x64xf32, #tpu.memory_space<hbm>> -> memref<400x64xf32, #tpu.memory_space<hbm>>
    %dma_start3A_75 = arith.constant 0 : i32
    %dma_start3A_76 = tpu.memref_slice %arg4[%add3A_67, %dma_start3A_75] : memref<204800x64xf32, #tpu.memory_space<hbm>> -> memref<400x64xf32, #tpu.memory_space<hbm>>
    %dma_start3A_77 = arith.constant 0 : i32
    %dma_start3A_78 = arith.constant 0 : i32
    %dma_start3A_79 = tpu.memref_slice %arg6[%dma_start3A_68, %dma_start3A_77, %dma_start3A_78] : memref<4x400x64xf32, #tpu.memory_space<vmem>> -> memref<1x400x64xf32, #tpu.memory_space<vmem>>
    %dma_start3A_80 = tpu.memref_squeeze %dma_start3A_79 : memref<1x400x64xf32, #tpu.memory_space<vmem>> -> memref<400x64xf32, #tpu.memory_space<vmem>>
    tpu.enqueue_dma source(%dma_start3A_80 : memref<400x64xf32, #tpu.memory_space<vmem>>) target(%dma_start3A_76 : memref<400x64xf32, #tpu.memory_space<hbm>>) target_semaphore(%arg12 : memref<!tpu.dma_semaphore, #tpu.memory_space<semaphore_mem>>)
    %dma_start3A_81 = arith.constant 3 : i32
    %dma_start3A_82 = arith.constant 0 : i32
    %dma_start3A_83 = arith.constant 0 : i32
    %dma_start3A_84 = tpu.memref_slice %arg6[%dma_start3A_81, %dma_start3A_82, %dma_start3A_83] : memref<4x400x64xf32, #tpu.memory_space<vmem>> -> memref<1x400x64xf32, #tpu.memory_space<vmem>>
    %dma_start3A_85 = tpu.memref_squeeze %dma_start3A_84 : memref<1x400x64xf32, #tpu.memory_space<vmem>> -> memref<400x64xf32, #tpu.memory_space<vmem>>
    %dma_start3A_86 = arith.constant 1200 : i32
    %dma_start3A_87 = tpu.memref_slice %arg5[%dma_start3A_86] : memref<6400xi32, #tpu.memory_space<vmem>> -> memref<400xi32, #tpu.memory_space<vmem>>
    %dma_start3A_88 = arith.constant 0 : i32
    %dma_start3A_89 = arith.constant 0 : i32
    %dma_start3A_90 = tpu.memref_slice %arg3[%dma_start3A_88, %dma_start3A_89] : memref<100001x64xf32, #tpu.memory_space<hbm>> -> memref<100001x64xf32, #tpu.memory_space<hbm>>
    tpu.enqueue_indirect_dma source(%dma_start3A_90 : memref<100001x64xf32, #tpu.memory_space<hbm>>) target(%dma_start3A_85 : memref<400x64xf32, #tpu.memory_space<vmem>>) offsets(%dma_start3A_87 : memref<400xi32, #tpu.memory_space<vmem>>) semaphore(%arg10 : memref<!tpu.dma_semaphore, #tpu.memory_space<semaphore_mem>>)
    %dma_wait3A_91 = arith.constant 2 : i32
    %dma_wait3A_92 = arith.constant 0 : i32
    %dma_wait3A_93 = arith.constant 0 : i32
    %dma_wait3A_94 = tpu.memref_slice %arg6[%dma_wait3A_91, %dma_wait3A_92, %dma_wait3A_93] : memref<4x400x64xf32, #tpu.memory_space<vmem>> -> memref<1x400x64xf32, #tpu.memory_space<vmem>>
    %dma_wait3A_95 = tpu.memref_squeeze %dma_wait3A_94 : memref<1x400x64xf32, #tpu.memory_space<vmem>> -> memref<400x64xf32, #tpu.memory_space<vmem>>
    %dma_wait3A_96 = arith.constant 800 : i32
    %dma_wait3A_97 = tpu.memref_slice %arg5[%dma_wait3A_96] : memref<6400xi32, #tpu.memory_space<vmem>> -> memref<400xi32, #tpu.memory_space<vmem>>
    %dma_wait3A_98 = arith.constant 0 : i32
    %dma_wait3A_99 = arith.constant 0 : i32
    %dma_wait3A_100 = tpu.memref_slice %arg3[%dma_wait3A_98, %dma_wait3A_99] : memref<100001x64xf32, #tpu.memory_space<hbm>> -> memref<100001x64xf32, #tpu.memory_space<hbm>>
    tpu.wait_indirect_dma semaphore(%arg9 : memref<!tpu.dma_semaphore, #tpu.memory_space<semaphore_mem>>) src(%dma_wait3A_100 : memref<100001x64xf32, #tpu.memory_space<hbm>>) dst(%dma_wait3A_95 : memref<400x64xf32, #tpu.memory_space<vmem>>)
    %add3A_101 = arith.constant 800 : i32
    %add3A_102 = arith.addi %mul3A_2, %add3A_101 : i32
    %dma_start3A_103 = arith.constant 2 : i32
    %dma_start3A_104 = arith.constant 0 : i32
    %dma_start3A_105 = arith.constant 0 : i32
    %dma_start3A_106 = tpu.memref_slice %arg6[%dma_start3A_103, %dma_start3A_104, %dma_start3A_105] : memref<4x400x64xf32, #tpu.memory_space<vmem>> -> memref<1x400x64xf32, #tpu.memory_space<vmem>>
    %dma_start3A_107 = tpu.memref_squeeze %dma_start3A_106 : memref<1x400x64xf32, #tpu.memory_space<vmem>> -> memref<400x64xf32, #tpu.memory_space<vmem>>
    %dma_start3A_108 = arith.constant 0 : i32
    %dma_start3A_109 = tpu.memref_slice %arg4[%add3A_102, %dma_start3A_108] : memref<204800x64xf32, #tpu.memory_space<hbm>> -> memref<400x64xf32, #tpu.memory_space<hbm>>
    %dma_start3A_110 = arith.constant 0 : i32
    %dma_start3A_111 = tpu.memref_slice %arg4[%add3A_102, %dma_start3A_110] : memref<204800x64xf32, #tpu.memory_space<hbm>> -> memref<400x64xf32, #tpu.memory_space<hbm>>
    %dma_start3A_112 = arith.constant 0 : i32
    %dma_start3A_113 = arith.constant 0 : i32
    %dma_start3A_114 = tpu.memref_slice %arg6[%dma_start3A_103, %dma_start3A_112, %dma_start3A_113] : memref<4x400x64xf32, #tpu.memory_space<vmem>> -> memref<1x400x64xf32, #tpu.memory_space<vmem>>
    %dma_start3A_115 = tpu.memref_squeeze %dma_start3A_114 : memref<1x400x64xf32, #tpu.memory_space<vmem>> -> memref<400x64xf32, #tpu.memory_space<vmem>>
    tpu.enqueue_dma source(%dma_start3A_115 : memref<400x64xf32, #tpu.memory_space<vmem>>) target(%dma_start3A_111 : memref<400x64xf32, #tpu.memory_space<hbm>>) target_semaphore(%arg13 : memref<!tpu.dma_semaphore, #tpu.memory_space<semaphore_mem>>)
    %dma_wait3A_116 = arith.constant 0 : i32
    %dma_wait3A_117 = arith.constant 0 : i32
    %dma_wait3A_118 = arith.constant 0 : i32
    %dma_wait3A_119 = tpu.memref_slice %arg6[%dma_wait3A_116, %dma_wait3A_117, %dma_wait3A_118] : memref<4x400x64xf32, #tpu.memory_space<vmem>> -> memref<1x400x64xf32, #tpu.memory_space<vmem>>
    %dma_wait3A_120 = tpu.memref_squeeze %dma_wait3A_119 : memref<1x400x64xf32, #tpu.memory_space<vmem>> -> memref<400x64xf32, #tpu.memory_space<vmem>>
    %dma_wait3A_121 = arith.constant 0 : i32
    %dma_wait3A_122 = tpu.memref_slice %arg4[%add3A_32, %dma_wait3A_121] : memref<204800x64xf32, #tpu.memory_space<hbm>> -> memref<400x64xf32, #tpu.memory_space<hbm>>
    %dma_wait3A_123 = arith.constant 0 : i32
    %dma_wait3A_124 = tpu.memref_slice %arg4[%add3A_32, %dma_wait3A_123] : memref<204800x64xf32, #tpu.memory_space<hbm>> -> memref<400x64xf32, #tpu.memory_space<hbm>>
    %dma_wait3A_125 = arith.constant 0 : i32
    %dma_wait3A_126 = arith.constant 0 : i32
    %dma_wait3A_127 = tpu.memref_slice %arg6[%dma_wait3A_116, %dma_wait3A_125, %dma_wait3A_126] : memref<4x400x64xf32, #tpu.memory_space<vmem>> -> memref<1x400x64xf32, #tpu.memory_space<vmem>>
    %dma_wait3A_128 = tpu.memref_squeeze %dma_wait3A_127 : memref<1x400x64xf32, #tpu.memory_space<vmem>> -> memref<400x64xf32, #tpu.memory_space<vmem>>
    tpu.wait_dma2 semaphore(%arg11 : memref<!tpu.dma_semaphore, #tpu.memory_space<semaphore_mem>>) src(%dma_wait3A_128 : memref<400x64xf32, #tpu.memory_space<vmem>>) dst(%dma_wait3A_124 : memref<400x64xf32, #tpu.memory_space<hbm>>)
    %dma_start3A_129 = arith.constant 0 : i32
    %dma_start3A_130 = arith.constant 0 : i32
    %dma_start3A_131 = arith.constant 0 : i32
    %dma_start3A_132 = tpu.memref_slice %arg6[%dma_start3A_129, %dma_start3A_130, %dma_start3A_131] : memref<4x400x64xf32, #tpu.memory_space<vmem>> -> memref<1x400x64xf32, #tpu.memory_space<vmem>>
    %dma_start3A_133 = tpu.memref_squeeze %dma_start3A_132 : memref<1x400x64xf32, #tpu.memory_space<vmem>> -> memref<400x64xf32, #tpu.memory_space<vmem>>
    %dma_start3A_134 = arith.constant 1600 : i32
    %dma_start3A_135 = tpu.memref_slice %arg5[%dma_start3A_134] : memref<6400xi32, #tpu.memory_space<vmem>> -> memref<400xi32, #tpu.memory_space<vmem>>
    %dma_start3A_136 = arith.constant 0 : i32
    %dma_start3A_137 = arith.constant 0 : i32
    %dma_start3A_138 = tpu.memref_slice %arg3[%dma_start3A_136, %dma_start3A_137] : memref<100001x64xf32, #tpu.memory_space<hbm>> -> memref<100001x64xf32, #tpu.memory_space<hbm>>
    tpu.enqueue_indirect_dma source(%dma_start3A_138 : memref<100001x64xf32, #tpu.memory_space<hbm>>) target(%dma_start3A_133 : memref<400x64xf32, #tpu.memory_space<vmem>>) offsets(%dma_start3A_135 : memref<400xi32, #tpu.memory_space<vmem>>) semaphore(%arg7 : memref<!tpu.dma_semaphore, #tpu.memory_space<semaphore_mem>>)
    %dma_wait3A_139 = arith.constant 3 : i32
    %dma_wait3A_140 = arith.constant 0 : i32
    %dma_wait3A_141 = arith.constant 0 : i32
    %dma_wait3A_142 = tpu.memref_slice %arg6[%dma_wait3A_139, %dma_wait3A_140, %dma_wait3A_141] : memref<4x400x64xf32, #tpu.memory_space<vmem>> -> memref<1x400x64xf32, #tpu.memory_space<vmem>>
    %dma_wait3A_143 = tpu.memref_squeeze %dma_wait3A_142 : memref<1x400x64xf32, #tpu.memory_space<vmem>> -> memref<400x64xf32, #tpu.memory_space<vmem>>
    %dma_wait3A_144 = arith.constant 1200 : i32
    %dma_wait3A_145 = tpu.memref_slice %arg5[%dma_wait3A_144] : memref<6400xi32, #tpu.memory_space<vmem>> -> memref<400xi32, #tpu.memory_space<vmem>>
    %dma_wait3A_146 = arith.constant 0 : i32
    %dma_wait3A_147 = arith.constant 0 : i32
    %dma_wait3A_148 = tpu.memref_slice %arg3[%dma_wait3A_146, %dma_wait3A_147] : memref<100001x64xf32, #tpu.memory_space<hbm>> -> memref<100001x64xf32, #tpu.memory_space<hbm>>
    tpu.wait_indirect_dma semaphore(%arg10 : memref<!tpu.dma_semaphore, #tpu.memory_space<semaphore_mem>>) src(%dma_wait3A_148 : memref<100001x64xf32, #tpu.memory_space<hbm>>) dst(%dma_wait3A_143 : memref<400x64xf32, #tpu.memory_space<vmem>>)
    %add3A_149 = arith.constant 1200 : i32
    %add3A_150 = arith.addi %mul3A_2, %add3A_149 : i32
    %dma_start3A_151 = arith.constant 3 : i32
    %dma_start3A_152 = arith.constant 0 : i32
    %dma_start3A_153 = arith.constant 0 : i32
    %dma_start3A_154 = tpu.memref_slice %arg6[%dma_start3A_151, %dma_start3A_152, %dma_start3A_153] : memref<4x400x64xf32, #tpu.memory_space<vmem>> -> memref<1x400x64xf32, #tpu.memory_space<vmem>>
    %dma_start3A_155 = tpu.memref_squeeze %dma_start3A_154 : memref<1x400x64xf32, #tpu.memory_space<vmem>> -> memref<400x64xf32, #tpu.memory_space<vmem>>
    %dma_start3A_156 = arith.constant 0 : i32
    %dma_start3A_157 = tpu.memref_slice %arg4[%add3A_150, %dma_start3A_156] : memref<204800x64xf32, #tpu.memory_space<hbm>> -> memref<400x64xf32, #tpu.memory_space<hbm>>
    %dma_start3A_158 = arith.constant 0 : i32
    %dma_start3A_159 = tpu.memref_slice %arg4[%add3A_150, %dma_start3A_158] : memref<204800x64xf32, #tpu.memory_space<hbm>> -> memref<400x64xf32, #tpu.memory_space<hbm>>
    %dma_start3A_160 = arith.constant 0 : i32
    %dma_start3A_161 = arith.constant 0 : i32
    %dma_start3A_162 = tpu.memref_slice %arg6[%dma_start3A_151, %dma_start3A_160, %dma_start3A_161] : memref<4x400x64xf32, #tpu.memory_space<vmem>> -> memref<1x400x64xf32, #tpu.memory_space<vmem>>
    %dma_start3A_163 = tpu.memref_squeeze %dma_start3A_162 : memref<1x400x64xf32, #tpu.memory_space<vmem>> -> memref<400x64xf32, #tpu.memory_space<vmem>>
    tpu.enqueue_dma source(%dma_start3A_163 : memref<400x64xf32, #tpu.memory_space<vmem>>) target(%dma_start3A_159 : memref<400x64xf32, #tpu.memory_space<hbm>>) target_semaphore(%arg14 : memref<!tpu.dma_semaphore, #tpu.memory_space<semaphore_mem>>)
    %dma_wait3A_164 = arith.constant 1 : i32
    %dma_wait3A_165 = arith.constant 0 : i32
    %dma_wait3A_166 = arith.constant 0 : i32
    %dma_wait3A_167 = tpu.memref_slice %arg6[%dma_wait3A_164, %dma_wait3A_165, %dma_wait3A_166] : memref<4x400x64xf32, #tpu.memory_space<vmem>> -> memref<1x400x64xf32, #tpu.memory_space<vmem>>
    %dma_wait3A_168 = tpu.memref_squeeze %dma_wait3A_167 : memref<1x400x64xf32, #tpu.memory_space<vmem>> -> memref<400x64xf32, #tpu.memory_space<vmem>>
    %dma_wait3A_169 = arith.constant 0 : i32
    %dma_wait3A_170 = tpu.memref_slice %arg4[%add3A_67, %dma_wait3A_169] : memref<204800x64xf32, #tpu.memory_space<hbm>> -> memref<400x64xf32, #tpu.memory_space<hbm>>
    %dma_wait3A_171 = arith.constant 0 : i32
    %dma_wait3A_172 = tpu.memref_slice %arg4[%add3A_67, %dma_wait3A_171] : memref<204800x64xf32, #tpu.memory_space<hbm>> -> memref<400x64xf32, #tpu.memory_space<hbm>>
    %dma_wait3A_173 = arith.constant 0 : i32
    %dma_wait3A_174 = arith.constant 0 : i32
    %dma_wait3A_175 = tpu.memref_slice %arg6[%dma_wait3A_164, %dma_wait3A_173, %dma_wait3A_174] : memref<4x400x64xf32, #tpu.memory_space<vmem>> -> memref<1x400x64xf32, #tpu.memory_space<vmem>>
    %dma_wait3A_176 = tpu.memref_squeeze %dma_wait3A_175 : memref<1x400x64xf32, #tpu.memory_space<vmem>> -> memref<400x64xf32, #tpu.memory_space<vmem>>
    tpu.wait_dma2 semaphore(%arg12 : memref<!tpu.dma_semaphore, #tpu.memory_space<semaphore_mem>>) src(%dma_wait3A_176 : memref<400x64xf32, #tpu.memory_space<vmem>>) dst(%dma_wait3A_172 : memref<400x64xf32, #tpu.memory_space<hbm>>)
    %dma_start3A_177 = arith.constant 1 : i32
    %dma_start3A_178 = arith.constant 0 : i32
    %dma_start3A_179 = arith.constant 0 : i32
    %dma_start3A_180 = tpu.memref_slice %arg6[%dma_start3A_177, %dma_start3A_178, %dma_start3A_179] : memref<4x400x64xf32, #tpu.memory_space<vmem>> -> memref<1x400x64xf32, #tpu.memory_space<vmem>>
    %dma_start3A_181 = tpu.memref_squeeze %dma_start3A_180 : memref<1x400x64xf32, #tpu.memory_space<vmem>> -> memref<400x64xf32, #tpu.memory_space<vmem>>
    %dma_start3A_182 = arith.constant 2000 : i32
    %dma_start3A_183 = tpu.memref_slice %arg5[%dma_start3A_182] : memref<6400xi32, #tpu.memory_space<vmem>> -> memref<400xi32, #tpu.memory_space<vmem>>
    %dma_start3A_184 = arith.constant 0 : i32
    %dma_start3A_185 = arith.constant 0 : i32
    %dma_start3A_186 = tpu.memref_slice %arg3[%dma_start3A_184, %dma_start3A_185] : memref<100001x64xf32, #tpu.memory_space<hbm>> -> memref<100001x64xf32, #tpu.memory_space<hbm>>
    tpu.enqueue_indirect_dma source(%dma_start3A_186 : memref<100001x64xf32, #tpu.memory_space<hbm>>) target(%dma_start3A_181 : memref<400x64xf32, #tpu.memory_space<vmem>>) offsets(%dma_start3A_183 : memref<400xi32, #tpu.memory_space<vmem>>) semaphore(%arg8 : memref<!tpu.dma_semaphore, #tpu.memory_space<semaphore_mem>>)
    %dma_wait3A_187 = arith.constant 0 : i32
    %dma_wait3A_188 = arith.constant 0 : i32
    %dma_wait3A_189 = arith.constant 0 : i32
    %dma_wait3A_190 = tpu.memref_slice %arg6[%dma_wait3A_187, %dma_wait3A_188, %dma_wait3A_189] : memref<4x400x64xf32, #tpu.memory_space<vmem>> -> memref<1x400x64xf32, #tpu.memory_space<vmem>>
    %dma_wait3A_191 = tpu.memref_squeeze %dma_wait3A_190 : memref<1x400x64xf32, #tpu.memory_space<vmem>> -> memref<400x64xf32, #tpu.memory_space<vmem>>
    %dma_wait3A_192 = arith.constant 1600 : i32
    %dma_wait3A_193 = tpu.memref_slice %arg5[%dma_wait3A_192] : memref<6400xi32, #tpu.memory_space<vmem>> -> memref<400xi32, #tpu.memory_space<vmem>>
    %dma_wait3A_194 = arith.constant 0 : i32
    %dma_wait3A_195 = arith.constant 0 : i32
    %dma_wait3A_196 = tpu.memref_slice %arg3[%dma_wait3A_194, %dma_wait3A_195] : memref<100001x64xf32, #tpu.memory_space<hbm>> -> memref<100001x64xf32, #tpu.memory_space<hbm>>
    tpu.wait_indirect_dma semaphore(%arg7 : memref<!tpu.dma_semaphore, #tpu.memory_space<semaphore_mem>>) src(%dma_wait3A_196 : memref<100001x64xf32, #tpu.memory_space<hbm>>) dst(%dma_wait3A_191 : memref<400x64xf32, #tpu.memory_space<vmem>>)
    %add3A_197 = arith.constant 1600 : i32
    %add3A_198 = arith.addi %mul3A_2, %add3A_197 : i32
    %dma_start3A_199 = arith.constant 0 : i32
    %dma_start3A_200 = arith.constant 0 : i32
    %dma_start3A_201 = arith.constant 0 : i32
    %dma_start3A_202 = tpu.memref_slice %arg6[%dma_start3A_199, %dma_start3A_200, %dma_start3A_201] : memref<4x400x64xf32, #tpu.memory_space<vmem>> -> memref<1x400x64xf32, #tpu.memory_space<vmem>>
    %dma_start3A_203 = tpu.memref_squeeze %dma_start3A_202 : memref<1x400x64xf32, #tpu.memory_space<vmem>> -> memref<400x64xf32, #tpu.memory_space<vmem>>
    %dma_start3A_204 = arith.constant 0 : i32
    %dma_start3A_205 = tpu.memref_slice %arg4[%add3A_198, %dma_start3A_204] : memref<204800x64xf32, #tpu.memory_space<hbm>> -> memref<400x64xf32, #tpu.memory_space<hbm>>
    %dma_start3A_206 = arith.constant 0 : i32
    %dma_start3A_207 = tpu.memref_slice %arg4[%add3A_198, %dma_start3A_206] : memref<204800x64xf32, #tpu.memory_space<hbm>> -> memref<400x64xf32, #tpu.memory_space<hbm>>
    %dma_start3A_208 = arith.constant 0 : i32
    %dma_start3A_209 = arith.constant 0 : i32
    %dma_start3A_210 = tpu.memref_slice %arg6[%dma_start3A_199, %dma_start3A_208, %dma_start3A_209] : memref<4x400x64xf32, #tpu.memory_space<vmem>> -> memref<1x400x64xf32, #tpu.memory_space<vmem>>
    %dma_start3A_211 = tpu.memref_squeeze %dma_start3A_210 : memref<1x400x64xf32, #tpu.memory_space<vmem>> -> memref<400x64xf32, #tpu.memory_space<vmem>>
    tpu.enqueue_dma source(%dma_start3A_211 : memref<400x64xf32, #tpu.memory_space<vmem>>) target(%dma_start3A_207 : memref<400x64xf32, #tpu.memory_space<hbm>>) target_semaphore(%arg11 : memref<!tpu.dma_semaphore, #tpu.memory_space<semaphore_mem>>)
    %dma_wait3A_212 = arith.constant 2 : i32
    %dma_wait3A_213 = arith.constant 0 : i32
    %dma_wait3A_214 = arith.constant 0 : i32
    %dma_wait3A_215 = tpu.memref_slice %arg6[%dma_wait3A_212, %dma_wait3A_213, %dma_wait3A_214] : memref<4x400x64xf32, #tpu.memory_space<vmem>> -> memref<1x400x64xf32, #tpu.memory_space<vmem>>
    %dma_wait3A_216 = tpu.memref_squeeze %dma_wait3A_215 : memref<1x400x64xf32, #tpu.memory_space<vmem>> -> memref<400x64xf32, #tpu.memory_space<vmem>>
    %dma_wait3A_217 = arith.constant 0 : i32
    %dma_wait3A_218 = tpu.memref_slice %arg4[%add3A_102, %dma_wait3A_217] : memref<204800x64xf32, #tpu.memory_space<hbm>> -> memref<400x64xf32, #tpu.memory_space<hbm>>
    %dma_wait3A_219 = arith.constant 0 : i32
    %dma_wait3A_220 = tpu.memref_slice %arg4[%add3A_102, %dma_wait3A_219] : memref<204800x64xf32, #tpu.memory_space<hbm>> -> memref<400x64xf32, #tpu.memory_space<hbm>>
    %dma_wait3A_221 = arith.constant 0 : i32
    %dma_wait3A_222 = arith.constant 0 : i32
    %dma_wait3A_223 = tpu.memref_slice %arg6[%dma_wait3A_212, %dma_wait3A_221, %dma_wait3A_222] : memref<4x400x64xf32, #tpu.memory_space<vmem>> -> memref<1x400x64xf32, #tpu.memory_space<vmem>>
    %dma_wait3A_224 = tpu.memref_squeeze %dma_wait3A_223 : memref<1x400x64xf32, #tpu.memory_space<vmem>> -> memref<400x64xf32, #tpu.memory_space<vmem>>
    tpu.wait_dma2 semaphore(%arg13 : memref<!tpu.dma_semaphore, #tpu.memory_space<semaphore_mem>>) src(%dma_wait3A_224 : memref<400x64xf32, #tpu.memory_space<vmem>>) dst(%dma_wait3A_220 : memref<400x64xf32, #tpu.memory_space<hbm>>)
    %dma_start3A_225 = arith.constant 2 : i32
    %dma_start3A_226 = arith.constant 0 : i32
    %dma_start3A_227 = arith.constant 0 : i32
    %dma_start3A_228 = tpu.memref_slice %arg6[%dma_start3A_225, %dma_start3A_226, %dma_start3A_227] : memref<4x400x64xf32, #tpu.memory_space<vmem>> -> memref<1x400x64xf32, #tpu.memory_space<vmem>>
    %dma_start3A_229 = tpu.memref_squeeze %dma_start3A_228 : memref<1x400x64xf32, #tpu.memory_space<vmem>> -> memref<400x64xf32, #tpu.memory_space<vmem>>
    %dma_start3A_230 = arith.constant 2400 : i32
    %dma_start3A_231 = tpu.memref_slice %arg5[%dma_start3A_230] : memref<6400xi32, #tpu.memory_space<vmem>> -> memref<400xi32, #tpu.memory_space<vmem>>
    %dma_start3A_232 = arith.constant 0 : i32
    %dma_start3A_233 = arith.constant 0 : i32
    %dma_start3A_234 = tpu.memref_slice %arg3[%dma_start3A_232, %dma_start3A_233] : memref<100001x64xf32, #tpu.memory_space<hbm>> -> memref<100001x64xf32, #tpu.memory_space<hbm>>
    tpu.enqueue_indirect_dma source(%dma_start3A_234 : memref<100001x64xf32, #tpu.memory_space<hbm>>) target(%dma_start3A_229 : memref<400x64xf32, #tpu.memory_space<vmem>>) offsets(%dma_start3A_231 : memref<400xi32, #tpu.memory_space<vmem>>) semaphore(%arg9 : memref<!tpu.dma_semaphore, #tpu.memory_space<semaphore_mem>>)
    %dma_wait3A_235 = arith.constant 1 : i32
    %dma_wait3A_236 = arith.constant 0 : i32
    %dma_wait3A_237 = arith.constant 0 : i32
    %dma_wait3A_238 = tpu.memref_slice %arg6[%dma_wait3A_235, %dma_wait3A_236, %dma_wait3A_237] : memref<4x400x64xf32, #tpu.memory_space<vmem>> -> memref<1x400x64xf32, #tpu.memory_space<vmem>>
    %dma_wait3A_239 = tpu.memref_squeeze %dma_wait3A_238 : memref<1x400x64xf32, #tpu.memory_space<vmem>> -> memref<400x64xf32, #tpu.memory_space<vmem>>
    %dma_wait3A_240 = arith.constant 2000 : i32
    %dma_wait3A_241 = tpu.memref_slice %arg5[%dma_wait3A_240] : memref<6400xi32, #tpu.memory_space<vmem>> -> memref<400xi32, #tpu.memory_space<vmem>>
    %dma_wait3A_242 = arith.constant 0 : i32
    %dma_wait3A_243 = arith.constant 0 : i32
    %dma_wait3A_244 = tpu.memref_slice %arg3[%dma_wait3A_242, %dma_wait3A_243] : memref<100001x64xf32, #tpu.memory_space<hbm>> -> memref<100001x64xf32, #tpu.memory_space<hbm>>
    tpu.wait_indirect_dma semaphore(%arg8 : memref<!tpu.dma_semaphore, #tpu.memory_space<semaphore_mem>>) src(%dma_wait3A_244 : memref<100001x64xf32, #tpu.memory_space<hbm>>) dst(%dma_wait3A_239 : memref<400x64xf32, #tpu.memory_space<vmem>>)
    %add3A_245 = arith.constant 2000 : i32
    %add3A_246 = arith.addi %mul3A_2, %add3A_245 : i32
    %dma_start3A_247 = arith.constant 1 : i32
    %dma_start3A_248 = arith.constant 0 : i32
    %dma_start3A_249 = arith.constant 0 : i32
    %dma_start3A_250 = tpu.memref_slice %arg6[%dma_start3A_247, %dma_start3A_248, %dma_start3A_249] : memref<4x400x64xf32, #tpu.memory_space<vmem>> -> memref<1x400x64xf32, #tpu.memory_space<vmem>>
    %dma_start3A_251 = tpu.memref_squeeze %dma_start3A_250 : memref<1x400x64xf32, #tpu.memory_space<vmem>> -> memref<400x64xf32, #tpu.memory_space<vmem>>
    %dma_start3A_252 = arith.constant 0 : i32
    %dma_start3A_253 = tpu.memref_slice %arg4[%add3A_246, %dma_start3A_252] : memref<204800x64xf32, #tpu.memory_space<hbm>> -> memref<400x64xf32, #tpu.memory_space<hbm>>
    %dma_start3A_254 = arith.constant 0 : i32
    %dma_start3A_255 = tpu.memref_slice %arg4[%add3A_246, %dma_start3A_254] : memref<204800x64xf32, #tpu.memory_space<hbm>> -> memref<400x64xf32, #tpu.memory_space<hbm>>
    %dma_start3A_256 = arith.constant 0 : i32
    %dma_start3A_257 = arith.constant 0 : i32
    %dma_start3A_258 = tpu.memref_slice %arg6[%dma_start3A_247, %dma_start3A_256, %dma_start3A_257] : memref<4x400x64xf32, #tpu.memory_space<vmem>> -> memref<1x400x64xf32, #tpu.memory_space<vmem>>
    %dma_start3A_259 = tpu.memref_squeeze %dma_start3A_258 : memref<1x400x64xf32, #tpu.memory_space<vmem>> -> memref<400x64xf32, #tpu.memory_space<vmem>>
    tpu.enqueue_dma source(%dma_start3A_259 : memref<400x64xf32, #tpu.memory_space<vmem>>) target(%dma_start3A_255 : memref<400x64xf32, #tpu.memory_space<hbm>>) target_semaphore(%arg12 : memref<!tpu.dma_semaphore, #tpu.memory_space<semaphore_mem>>)
    %dma_wait3A_260 = arith.constant 3 : i32
    %dma_wait3A_261 = arith.constant 0 : i32
    %dma_wait3A_262 = arith.constant 0 : i32
    %dma_wait3A_263 = tpu.memref_slice %arg6[%dma_wait3A_260, %dma_wait3A_261, %dma_wait3A_262] : memref<4x400x64xf32, #tpu.memory_space<vmem>> -> memref<1x400x64xf32, #tpu.memory_space<vmem>>
    %dma_wait3A_264 = tpu.memref_squeeze %dma_wait3A_263 : memref<1x400x64xf32, #tpu.memory_space<vmem>> -> memref<400x64xf32, #tpu.memory_space<vmem>>
    %dma_wait3A_265 = arith.constant 0 : i32
    %dma_wait3A_266 = tpu.memref_slice %arg4[%add3A_150, %dma_wait3A_265] : memref<204800x64xf32, #tpu.memory_space<hbm>> -> memref<400x64xf32, #tpu.memory_space<hbm>>
    %dma_wait3A_267 = arith.constant 0 : i32
    %dma_wait3A_268 = tpu.memref_slice %arg4[%add3A_150, %dma_wait3A_267] : memref<204800x64xf32, #tpu.memory_space<hbm>> -> memref<400x64xf32, #tpu.memory_space<hbm>>
    %dma_wait3A_269 = arith.constant 0 : i32
    %dma_wait3A_270 = arith.constant 0 : i32
    %dma_wait3A_271 = tpu.memref_slice %arg6[%dma_wait3A_260, %dma_wait3A_269, %dma_wait3A_270] : memref<4x400x64xf32, #tpu.memory_space<vmem>> -> memref<1x400x64xf32, #tpu.memory_space<vmem>>
    %dma_wait3A_272 = tpu.memref_squeeze %dma_wait3A_271 : memref<1x400x64xf32, #tpu.memory_space<vmem>> -> memref<400x64xf32, #tpu.memory_space<vmem>>
    tpu.wait_dma2 semaphore(%arg14 : memref<!tpu.dma_semaphore, #tpu.memory_space<semaphore_mem>>) src(%dma_wait3A_272 : memref<400x64xf32, #tpu.memory_space<vmem>>) dst(%dma_wait3A_268 : memref<400x64xf32, #tpu.memory_space<hbm>>)
    %dma_start3A_273 = arith.constant 3 : i32
    %dma_start3A_274 = arith.constant 0 : i32
    %dma_start3A_275 = arith.constant 0 : i32
    %dma_start3A_276 = tpu.memref_slice %arg6[%dma_start3A_273, %dma_start3A_274, %dma_start3A_275] : memref<4x400x64xf32, #tpu.memory_space<vmem>> -> memref<1x400x64xf32, #tpu.memory_space<vmem>>
    %dma_start3A_277 = tpu.memref_squeeze %dma_start3A_276 : memref<1x400x64xf32, #tpu.memory_space<vmem>> -> memref<400x64xf32, #tpu.memory_space<vmem>>
    %dma_start3A_278 = arith.constant 2800 : i32
    %dma_start3A_279 = tpu.memref_slice %arg5[%dma_start3A_278] : memref<6400xi32, #tpu.memory_space<vmem>> -> memref<400xi32, #tpu.memory_space<vmem>>
    %dma_start3A_280 = arith.constant 0 : i32
    %dma_start3A_281 = arith.constant 0 : i32
    %dma_start3A_282 = tpu.memref_slice %arg3[%dma_start3A_280, %dma_start3A_281] : memref<100001x64xf32, #tpu.memory_space<hbm>> -> memref<100001x64xf32, #tpu.memory_space<hbm>>
    tpu.enqueue_indirect_dma source(%dma_start3A_282 : memref<100001x64xf32, #tpu.memory_space<hbm>>) target(%dma_start3A_277 : memref<400x64xf32, #tpu.memory_space<vmem>>) offsets(%dma_start3A_279 : memref<400xi32, #tpu.memory_space<vmem>>) semaphore(%arg10 : memref<!tpu.dma_semaphore, #tpu.memory_space<semaphore_mem>>)
    %dma_wait3A_283 = arith.constant 2 : i32
    %dma_wait3A_284 = arith.constant 0 : i32
    %dma_wait3A_285 = arith.constant 0 : i32
    %dma_wait3A_286 = tpu.memref_slice %arg6[%dma_wait3A_283, %dma_wait3A_284, %dma_wait3A_285] : memref<4x400x64xf32, #tpu.memory_space<vmem>> -> memref<1x400x64xf32, #tpu.memory_space<vmem>>
    %dma_wait3A_287 = tpu.memref_squeeze %dma_wait3A_286 : memref<1x400x64xf32, #tpu.memory_space<vmem>> -> memref<400x64xf32, #tpu.memory_space<vmem>>
    %dma_wait3A_288 = arith.constant 2400 : i32
    %dma_wait3A_289 = tpu.memref_slice %arg5[%dma_wait3A_288] : memref<6400xi32, #tpu.memory_space<vmem>> -> memref<400xi32, #tpu.memory_space<vmem>>
    %dma_wait3A_290 = arith.constant 0 : i32
    %dma_wait3A_291 = arith.constant 0 : i32
    %dma_wait3A_292 = tpu.memref_slice %arg3[%dma_wait3A_290, %dma_wait3A_291] : memref<100001x64xf32, #tpu.memory_space<hbm>> -> memref<100001x64xf32, #tpu.memory_space<hbm>>
    tpu.wait_indirect_dma semaphore(%arg9 : memref<!tpu.dma_semaphore, #tpu.memory_space<semaphore_mem>>) src(%dma_wait3A_292 : memref<100001x64xf32, #tpu.memory_space<hbm>>) dst(%dma_wait3A_287 : memref<400x64xf32, #tpu.memory_space<vmem>>)
    %add3A_293 = arith.constant 2400 : i32
    %add3A_294 = arith.addi %mul3A_2, %add3A_293 : i32
    %dma_start3A_295 = arith.constant 2 : i32
    %dma_start3A_296 = arith.constant 0 : i32
    %dma_start3A_297 = arith.constant 0 : i32
    %dma_start3A_298 = tpu.memref_slice %arg6[%dma_start3A_295, %dma_start3A_296, %dma_start3A_297] : memref<4x400x64xf32, #tpu.memory_space<vmem>> -> memref<1x400x64xf32, #tpu.memory_space<vmem>>
    %dma_start3A_299 = tpu.memref_squeeze %dma_start3A_298 : memref<1x400x64xf32, #tpu.memory_space<vmem>> -> memref<400x64xf32, #tpu.memory_space<vmem>>
    %dma_start3A_300 = arith.constant 0 : i32
    %dma_start3A_301 = tpu.memref_slice %arg4[%add3A_294, %dma_start3A_300] : memref<204800x64xf32, #tpu.memory_space<hbm>> -> memref<400x64xf32, #tpu.memory_space<hbm>>
    %dma_start3A_302 = arith.constant 0 : i32
    %dma_start3A_303 = tpu.memref_slice %arg4[%add3A_294, %dma_start3A_302] : memref<204800x64xf32, #tpu.memory_space<hbm>> -> memref<400x64xf32, #tpu.memory_space<hbm>>
    %dma_start3A_304 = arith.constant 0 : i32
    %dma_start3A_305 = arith.constant 0 : i32
    %dma_start3A_306 = tpu.memref_slice %arg6[%dma_start3A_295, %dma_start3A_304, %dma_start3A_305] : memref<4x400x64xf32, #tpu.memory_space<vmem>> -> memref<1x400x64xf32, #tpu.memory_space<vmem>>
    %dma_start3A_307 = tpu.memref_squeeze %dma_start3A_306 : memref<1x400x64xf32, #tpu.memory_space<vmem>> -> memref<400x64xf32, #tpu.memory_space<vmem>>
    tpu.enqueue_dma source(%dma_start3A_307 : memref<400x64xf32, #tpu.memory_space<vmem>>) target(%dma_start3A_303 : memref<400x64xf32, #tpu.memory_space<hbm>>) target_semaphore(%arg13 : memref<!tpu.dma_semaphore, #tpu.memory_space<semaphore_mem>>)
    %dma_wait3A_308 = arith.constant 0 : i32
    %dma_wait3A_309 = arith.constant 0 : i32
    %dma_wait3A_310 = arith.constant 0 : i32
    %dma_wait3A_311 = tpu.memref_slice %arg6[%dma_wait3A_308, %dma_wait3A_309, %dma_wait3A_310] : memref<4x400x64xf32, #tpu.memory_space<vmem>> -> memref<1x400x64xf32, #tpu.memory_space<vmem>>
    %dma_wait3A_312 = tpu.memref_squeeze %dma_wait3A_311 : memref<1x400x64xf32, #tpu.memory_space<vmem>> -> memref<400x64xf32, #tpu.memory_space<vmem>>
    %dma_wait3A_313 = arith.constant 0 : i32
    %dma_wait3A_314 = tpu.memref_slice %arg4[%add3A_198, %dma_wait3A_313] : memref<204800x64xf32, #tpu.memory_space<hbm>> -> memref<400x64xf32, #tpu.memory_space<hbm>>
    %dma_wait3A_315 = arith.constant 0 : i32
    %dma_wait3A_316 = tpu.memref_slice %arg4[%add3A_198, %dma_wait3A_315] : memref<204800x64xf32, #tpu.memory_space<hbm>> -> memref<400x64xf32, #tpu.memory_space<hbm>>
    %dma_wait3A_317 = arith.constant 0 : i32
    %dma_wait3A_318 = arith.constant 0 : i32
    %dma_wait3A_319 = tpu.memref_slice %arg6[%dma_wait3A_308, %dma_wait3A_317, %dma_wait3A_318] : memref<4x400x64xf32, #tpu.memory_space<vmem>> -> memref<1x400x64xf32, #tpu.memory_space<vmem>>
    %dma_wait3A_320 = tpu.memref_squeeze %dma_wait3A_319 : memref<1x400x64xf32, #tpu.memory_space<vmem>> -> memref<400x64xf32, #tpu.memory_space<vmem>>
    tpu.wait_dma2 semaphore(%arg11 : memref<!tpu.dma_semaphore, #tpu.memory_space<semaphore_mem>>) src(%dma_wait3A_320 : memref<400x64xf32, #tpu.memory_space<vmem>>) dst(%dma_wait3A_316 : memref<400x64xf32, #tpu.memory_space<hbm>>)
    %dma_start3A_321 = arith.constant 0 : i32
    %dma_start3A_322 = arith.constant 0 : i32
    %dma_start3A_323 = arith.constant 0 : i32
    %dma_start3A_324 = tpu.memref_slice %arg6[%dma_start3A_321, %dma_start3A_322, %dma_start3A_323] : memref<4x400x64xf32, #tpu.memory_space<vmem>> -> memref<1x400x64xf32, #tpu.memory_space<vmem>>
    %dma_start3A_325 = tpu.memref_squeeze %dma_start3A_324 : memref<1x400x64xf32, #tpu.memory_space<vmem>> -> memref<400x64xf32, #tpu.memory_space<vmem>>
    %dma_start3A_326 = arith.constant 3200 : i32
    %dma_start3A_327 = tpu.memref_slice %arg5[%dma_start3A_326] : memref<6400xi32, #tpu.memory_space<vmem>> -> memref<400xi32, #tpu.memory_space<vmem>>
    %dma_start3A_328 = arith.constant 0 : i32
    %dma_start3A_329 = arith.constant 0 : i32
    %dma_start3A_330 = tpu.memref_slice %arg3[%dma_start3A_328, %dma_start3A_329] : memref<100001x64xf32, #tpu.memory_space<hbm>> -> memref<100001x64xf32, #tpu.memory_space<hbm>>
    tpu.enqueue_indirect_dma source(%dma_start3A_330 : memref<100001x64xf32, #tpu.memory_space<hbm>>) target(%dma_start3A_325 : memref<400x64xf32, #tpu.memory_space<vmem>>) offsets(%dma_start3A_327 : memref<400xi32, #tpu.memory_space<vmem>>) semaphore(%arg7 : memref<!tpu.dma_semaphore, #tpu.memory_space<semaphore_mem>>)
    %dma_wait3A_331 = arith.constant 3 : i32
    %dma_wait3A_332 = arith.constant 0 : i32
    %dma_wait3A_333 = arith.constant 0 : i32
    %dma_wait3A_334 = tpu.memref_slice %arg6[%dma_wait3A_331, %dma_wait3A_332, %dma_wait3A_333] : memref<4x400x64xf32, #tpu.memory_space<vmem>> -> memref<1x400x64xf32, #tpu.memory_space<vmem>>
    %dma_wait3A_335 = tpu.memref_squeeze %dma_wait3A_334 : memref<1x400x64xf32, #tpu.memory_space<vmem>> -> memref<400x64xf32, #tpu.memory_space<vmem>>
    %dma_wait3A_336 = arith.constant 2800 : i32
    %dma_wait3A_337 = tpu.memref_slice %arg5[%dma_wait3A_336] : memref<6400xi32, #tpu.memory_space<vmem>> -> memref<400xi32, #tpu.memory_space<vmem>>
    %dma_wait3A_338 = arith.constant 0 : i32
    %dma_wait3A_339 = arith.constant 0 : i32
    %dma_wait3A_340 = tpu.memref_slice %arg3[%dma_wait3A_338, %dma_wait3A_339] : memref<100001x64xf32, #tpu.memory_space<hbm>> -> memref<100001x64xf32, #tpu.memory_space<hbm>>
    tpu.wait_indirect_dma semaphore(%arg10 : memref<!tpu.dma_semaphore, #tpu.memory_space<semaphore_mem>>) src(%dma_wait3A_340 : memref<100001x64xf32, #tpu.memory_space<hbm>>) dst(%dma_wait3A_335 : memref<400x64xf32, #tpu.memory_space<vmem>>)
    %add3A_341 = arith.constant 2800 : i32
    %add3A_342 = arith.addi %mul3A_2, %add3A_341 : i32
    %dma_start3A_343 = arith.constant 3 : i32
    %dma_start3A_344 = arith.constant 0 : i32
    %dma_start3A_345 = arith.constant 0 : i32
    %dma_start3A_346 = tpu.memref_slice %arg6[%dma_start3A_343, %dma_start3A_344, %dma_start3A_345] : memref<4x400x64xf32, #tpu.memory_space<vmem>> -> memref<1x400x64xf32, #tpu.memory_space<vmem>>
    %dma_start3A_347 = tpu.memref_squeeze %dma_start3A_346 : memref<1x400x64xf32, #tpu.memory_space<vmem>> -> memref<400x64xf32, #tpu.memory_space<vmem>>
    %dma_start3A_348 = arith.constant 0 : i32
    %dma_start3A_349 = tpu.memref_slice %arg4[%add3A_342, %dma_start3A_348] : memref<204800x64xf32, #tpu.memory_space<hbm>> -> memref<400x64xf32, #tpu.memory_space<hbm>>
    %dma_start3A_350 = arith.constant 0 : i32
    %dma_start3A_351 = tpu.memref_slice %arg4[%add3A_342, %dma_start3A_350] : memref<204800x64xf32, #tpu.memory_space<hbm>> -> memref<400x64xf32, #tpu.memory_space<hbm>>
    %dma_start3A_352 = arith.constant 0 : i32
    %dma_start3A_353 = arith.constant 0 : i32
    %dma_start3A_354 = tpu.memref_slice %arg6[%dma_start3A_343, %dma_start3A_352, %dma_start3A_353] : memref<4x400x64xf32, #tpu.memory_space<vmem>> -> memref<1x400x64xf32, #tpu.memory_space<vmem>>
    %dma_start3A_355 = tpu.memref_squeeze %dma_start3A_354 : memref<1x400x64xf32, #tpu.memory_space<vmem>> -> memref<400x64xf32, #tpu.memory_space<vmem>>
    tpu.enqueue_dma source(%dma_start3A_355 : memref<400x64xf32, #tpu.memory_space<vmem>>) target(%dma_start3A_351 : memref<400x64xf32, #tpu.memory_space<hbm>>) target_semaphore(%arg14 : memref<!tpu.dma_semaphore, #tpu.memory_space<semaphore_mem>>)
    %dma_wait3A_356 = arith.constant 1 : i32
    %dma_wait3A_357 = arith.constant 0 : i32
    %dma_wait3A_358 = arith.constant 0 : i32
    %dma_wait3A_359 = tpu.memref_slice %arg6[%dma_wait3A_356, %dma_wait3A_357, %dma_wait3A_358] : memref<4x400x64xf32, #tpu.memory_space<vmem>> -> memref<1x400x64xf32, #tpu.memory_space<vmem>>
    %dma_wait3A_360 = tpu.memref_squeeze %dma_wait3A_359 : memref<1x400x64xf32, #tpu.memory_space<vmem>> -> memref<400x64xf32, #tpu.memory_space<vmem>>
    %dma_wait3A_361 = arith.constant 0 : i32
    %dma_wait3A_362 = tpu.memref_slice %arg4[%add3A_246, %dma_wait3A_361] : memref<204800x64xf32, #tpu.memory_space<hbm>> -> memref<400x64xf32, #tpu.memory_space<hbm>>
    %dma_wait3A_363 = arith.constant 0 : i32
    %dma_wait3A_364 = tpu.memref_slice %arg4[%add3A_246, %dma_wait3A_363] : memref<204800x64xf32, #tpu.memory_space<hbm>> -> memref<400x64xf32, #tpu.memory_space<hbm>>
    %dma_wait3A_365 = arith.constant 0 : i32
    %dma_wait3A_366 = arith.constant 0 : i32
    %dma_wait3A_367 = tpu.memref_slice %arg6[%dma_wait3A_356, %dma_wait3A_365, %dma_wait3A_366] : memref<4x400x64xf32, #tpu.memory_space<vmem>> -> memref<1x400x64xf32, #tpu.memory_space<vmem>>
    %dma_wait3A_368 = tpu.memref_squeeze %dma_wait3A_367 : memref<1x400x64xf32, #tpu.memory_space<vmem>> -> memref<400x64xf32, #tpu.memory_space<vmem>>
    tpu.wait_dma2 semaphore(%arg12 : memref<!tpu.dma_semaphore, #tpu.memory_space<semaphore_mem>>) src(%dma_wait3A_368 : memref<400x64xf32, #tpu.memory_space<vmem>>) dst(%dma_wait3A_364 : memref<400x64xf32, #tpu.memory_space<hbm>>)
    %dma_start3A_369 = arith.constant 1 : i32
    %dma_start3A_370 = arith.constant 0 : i32
    %dma_start3A_371 = arith.constant 0 : i32
    %dma_start3A_372 = tpu.memref_slice %arg6[%dma_start3A_369, %dma_start3A_370, %dma_start3A_371] : memref<4x400x64xf32, #tpu.memory_space<vmem>> -> memref<1x400x64xf32, #tpu.memory_space<vmem>>
    %dma_start3A_373 = tpu.memref_squeeze %dma_start3A_372 : memref<1x400x64xf32, #tpu.memory_space<vmem>> -> memref<400x64xf32, #tpu.memory_space<vmem>>
    %dma_start3A_374 = arith.constant 3600 : i32
    %dma_start3A_375 = tpu.memref_slice %arg5[%dma_start3A_374] : memref<6400xi32, #tpu.memory_space<vmem>> -> memref<400xi32, #tpu.memory_space<vmem>>
    %dma_start3A_376 = arith.constant 0 : i32
    %dma_start3A_377 = arith.constant 0 : i32
    %dma_start3A_378 = tpu.memref_slice %arg3[%dma_start3A_376, %dma_start3A_377] : memref<100001x64xf32, #tpu.memory_space<hbm>> -> memref<100001x64xf32, #tpu.memory_space<hbm>>
    tpu.enqueue_indirect_dma source(%dma_start3A_378 : memref<100001x64xf32, #tpu.memory_space<hbm>>) target(%dma_start3A_373 : memref<400x64xf32, #tpu.memory_space<vmem>>) offsets(%dma_start3A_375 : memref<400xi32, #tpu.memory_space<vmem>>) semaphore(%arg8 : memref<!tpu.dma_semaphore, #tpu.memory_space<semaphore_mem>>)
    %dma_wait3A_379 = arith.constant 0 : i32
    %dma_wait3A_380 = arith.constant 0 : i32
    %dma_wait3A_381 = arith.constant 0 : i32
    %dma_wait3A_382 = tpu.memref_slice %arg6[%dma_wait3A_379, %dma_wait3A_380, %dma_wait3A_381] : memref<4x400x64xf32, #tpu.memory_space<vmem>> -> memref<1x400x64xf32, #tpu.memory_space<vmem>>
    %dma_wait3A_383 = tpu.memref_squeeze %dma_wait3A_382 : memref<1x400x64xf32, #tpu.memory_space<vmem>> -> memref<400x64xf32, #tpu.memory_space<vmem>>
    %dma_wait3A_384 = arith.constant 3200 : i32
    %dma_wait3A_385 = tpu.memref_slice %arg5[%dma_wait3A_384] : memref<6400xi32, #tpu.memory_space<vmem>> -> memref<400xi32, #tpu.memory_space<vmem>>
    %dma_wait3A_386 = arith.constant 0 : i32
    %dma_wait3A_387 = arith.constant 0 : i32
    %dma_wait3A_388 = tpu.memref_slice %arg3[%dma_wait3A_386, %dma_wait3A_387] : memref<100001x64xf32, #tpu.memory_space<hbm>> -> memref<100001x64xf32, #tpu.memory_space<hbm>>
    tpu.wait_indirect_dma semaphore(%arg7 : memref<!tpu.dma_semaphore, #tpu.memory_space<semaphore_mem>>) src(%dma_wait3A_388 : memref<100001x64xf32, #tpu.memory_space<hbm>>) dst(%dma_wait3A_383 : memref<400x64xf32, #tpu.memory_space<vmem>>)
    %add3A_389 = arith.constant 3200 : i32
    %add3A_390 = arith.addi %mul3A_2, %add3A_389 : i32
    %dma_start3A_391 = arith.constant 0 : i32
    %dma_start3A_392 = arith.constant 0 : i32
    %dma_start3A_393 = arith.constant 0 : i32
    %dma_start3A_394 = tpu.memref_slice %arg6[%dma_start3A_391, %dma_start3A_392, %dma_start3A_393] : memref<4x400x64xf32, #tpu.memory_space<vmem>> -> memref<1x400x64xf32, #tpu.memory_space<vmem>>
    %dma_start3A_395 = tpu.memref_squeeze %dma_start3A_394 : memref<1x400x64xf32, #tpu.memory_space<vmem>> -> memref<400x64xf32, #tpu.memory_space<vmem>>
    %dma_start3A_396 = arith.constant 0 : i32
    %dma_start3A_397 = tpu.memref_slice %arg4[%add3A_390, %dma_start3A_396] : memref<204800x64xf32, #tpu.memory_space<hbm>> -> memref<400x64xf32, #tpu.memory_space<hbm>>
    %dma_start3A_398 = arith.constant 0 : i32
    %dma_start3A_399 = tpu.memref_slice %arg4[%add3A_390, %dma_start3A_398] : memref<204800x64xf32, #tpu.memory_space<hbm>> -> memref<400x64xf32, #tpu.memory_space<hbm>>
    %dma_start3A_400 = arith.constant 0 : i32
    %dma_start3A_401 = arith.constant 0 : i32
    %dma_start3A_402 = tpu.memref_slice %arg6[%dma_start3A_391, %dma_start3A_400, %dma_start3A_401] : memref<4x400x64xf32, #tpu.memory_space<vmem>> -> memref<1x400x64xf32, #tpu.memory_space<vmem>>
    %dma_start3A_403 = tpu.memref_squeeze %dma_start3A_402 : memref<1x400x64xf32, #tpu.memory_space<vmem>> -> memref<400x64xf32, #tpu.memory_space<vmem>>
    tpu.enqueue_dma source(%dma_start3A_403 : memref<400x64xf32, #tpu.memory_space<vmem>>) target(%dma_start3A_399 : memref<400x64xf32, #tpu.memory_space<hbm>>) target_semaphore(%arg11 : memref<!tpu.dma_semaphore, #tpu.memory_space<semaphore_mem>>)
    %dma_wait3A_404 = arith.constant 2 : i32
    %dma_wait3A_405 = arith.constant 0 : i32
    %dma_wait3A_406 = arith.constant 0 : i32
    %dma_wait3A_407 = tpu.memref_slice %arg6[%dma_wait3A_404, %dma_wait3A_405, %dma_wait3A_406] : memref<4x400x64xf32, #tpu.memory_space<vmem>> -> memref<1x400x64xf32, #tpu.memory_space<vmem>>
    %dma_wait3A_408 = tpu.memref_squeeze %dma_wait3A_407 : memref<1x400x64xf32, #tpu.memory_space<vmem>> -> memref<400x64xf32, #tpu.memory_space<vmem>>
    %dma_wait3A_409 = arith.constant 0 : i32
    %dma_wait3A_410 = tpu.memref_slice %arg4[%add3A_294, %dma_wait3A_409] : memref<204800x64xf32, #tpu.memory_space<hbm>> -> memref<400x64xf32, #tpu.memory_space<hbm>>
    %dma_wait3A_411 = arith.constant 0 : i32
    %dma_wait3A_412 = tpu.memref_slice %arg4[%add3A_294, %dma_wait3A_411] : memref<204800x64xf32, #tpu.memory_space<hbm>> -> memref<400x64xf32, #tpu.memory_space<hbm>>
    %dma_wait3A_413 = arith.constant 0 : i32
    %dma_wait3A_414 = arith.constant 0 : i32
    %dma_wait3A_415 = tpu.memref_slice %arg6[%dma_wait3A_404, %dma_wait3A_413, %dma_wait3A_414] : memref<4x400x64xf32, #tpu.memory_space<vmem>> -> memref<1x400x64xf32, #tpu.memory_space<vmem>>
    %dma_wait3A_416 = tpu.memref_squeeze %dma_wait3A_415 : memref<1x400x64xf32, #tpu.memory_space<vmem>> -> memref<400x64xf32, #tpu.memory_space<vmem>>
    tpu.wait_dma2 semaphore(%arg13 : memref<!tpu.dma_semaphore, #tpu.memory_space<semaphore_mem>>) src(%dma_wait3A_416 : memref<400x64xf32, #tpu.memory_space<vmem>>) dst(%dma_wait3A_412 : memref<400x64xf32, #tpu.memory_space<hbm>>)
    %dma_start3A_417 = arith.constant 2 : i32
    %dma_start3A_418 = arith.constant 0 : i32
    %dma_start3A_419 = arith.constant 0 : i32
    %dma_start3A_420 = tpu.memref_slice %arg6[%dma_start3A_417, %dma_start3A_418, %dma_start3A_419] : memref<4x400x64xf32, #tpu.memory_space<vmem>> -> memref<1x400x64xf32, #tpu.memory_space<vmem>>
    %dma_start3A_421 = tpu.memref_squeeze %dma_start3A_420 : memref<1x400x64xf32, #tpu.memory_space<vmem>> -> memref<400x64xf32, #tpu.memory_space<vmem>>
    %dma_start3A_422 = arith.constant 4000 : i32
    %dma_start3A_423 = tpu.memref_slice %arg5[%dma_start3A_422] : memref<6400xi32, #tpu.memory_space<vmem>> -> memref<400xi32, #tpu.memory_space<vmem>>
    %dma_start3A_424 = arith.constant 0 : i32
    %dma_start3A_425 = arith.constant 0 : i32
    %dma_start3A_426 = tpu.memref_slice %arg3[%dma_start3A_424, %dma_start3A_425] : memref<100001x64xf32, #tpu.memory_space<hbm>> -> memref<100001x64xf32, #tpu.memory_space<hbm>>
    tpu.enqueue_indirect_dma source(%dma_start3A_426 : memref<100001x64xf32, #tpu.memory_space<hbm>>) target(%dma_start3A_421 : memref<400x64xf32, #tpu.memory_space<vmem>>) offsets(%dma_start3A_423 : memref<400xi32, #tpu.memory_space<vmem>>) semaphore(%arg9 : memref<!tpu.dma_semaphore, #tpu.memory_space<semaphore_mem>>)
    %dma_wait3A_427 = arith.constant 1 : i32
    %dma_wait3A_428 = arith.constant 0 : i32
    %dma_wait3A_429 = arith.constant 0 : i32
    %dma_wait3A_430 = tpu.memref_slice %arg6[%dma_wait3A_427, %dma_wait3A_428, %dma_wait3A_429] : memref<4x400x64xf32, #tpu.memory_space<vmem>> -> memref<1x400x64xf32, #tpu.memory_space<vmem>>
    %dma_wait3A_431 = tpu.memref_squeeze %dma_wait3A_430 : memref<1x400x64xf32, #tpu.memory_space<vmem>> -> memref<400x64xf32, #tpu.memory_space<vmem>>
    %dma_wait3A_432 = arith.constant 3600 : i32
    %dma_wait3A_433 = tpu.memref_slice %arg5[%dma_wait3A_432] : memref<6400xi32, #tpu.memory_space<vmem>> -> memref<400xi32, #tpu.memory_space<vmem>>
    %dma_wait3A_434 = arith.constant 0 : i32
    %dma_wait3A_435 = arith.constant 0 : i32
    %dma_wait3A_436 = tpu.memref_slice %arg3[%dma_wait3A_434, %dma_wait3A_435] : memref<100001x64xf32, #tpu.memory_space<hbm>> -> memref<100001x64xf32, #tpu.memory_space<hbm>>
    tpu.wait_indirect_dma semaphore(%arg8 : memref<!tpu.dma_semaphore, #tpu.memory_space<semaphore_mem>>) src(%dma_wait3A_436 : memref<100001x64xf32, #tpu.memory_space<hbm>>) dst(%dma_wait3A_431 : memref<400x64xf32, #tpu.memory_space<vmem>>)
    %add3A_437 = arith.constant 3600 : i32
    %add3A_438 = arith.addi %mul3A_2, %add3A_437 : i32
    %dma_start3A_439 = arith.constant 1 : i32
    %dma_start3A_440 = arith.constant 0 : i32
    %dma_start3A_441 = arith.constant 0 : i32
    %dma_start3A_442 = tpu.memref_slice %arg6[%dma_start3A_439, %dma_start3A_440, %dma_start3A_441] : memref<4x400x64xf32, #tpu.memory_space<vmem>> -> memref<1x400x64xf32, #tpu.memory_space<vmem>>
    %dma_start3A_443 = tpu.memref_squeeze %dma_start3A_442 : memref<1x400x64xf32, #tpu.memory_space<vmem>> -> memref<400x64xf32, #tpu.memory_space<vmem>>
    %dma_start3A_444 = arith.constant 0 : i32
    %dma_start3A_445 = tpu.memref_slice %arg4[%add3A_438, %dma_start3A_444] : memref<204800x64xf32, #tpu.memory_space<hbm>> -> memref<400x64xf32, #tpu.memory_space<hbm>>
    %dma_start3A_446 = arith.constant 0 : i32
    %dma_start3A_447 = tpu.memref_slice %arg4[%add3A_438, %dma_start3A_446] : memref<204800x64xf32, #tpu.memory_space<hbm>> -> memref<400x64xf32, #tpu.memory_space<hbm>>
    %dma_start3A_448 = arith.constant 0 : i32
    %dma_start3A_449 = arith.constant 0 : i32
    %dma_start3A_450 = tpu.memref_slice %arg6[%dma_start3A_439, %dma_start3A_448, %dma_start3A_449] : memref<4x400x64xf32, #tpu.memory_space<vmem>> -> memref<1x400x64xf32, #tpu.memory_space<vmem>>
    %dma_start3A_451 = tpu.memref_squeeze %dma_start3A_450 : memref<1x400x64xf32, #tpu.memory_space<vmem>> -> memref<400x64xf32, #tpu.memory_space<vmem>>
    tpu.enqueue_dma source(%dma_start3A_451 : memref<400x64xf32, #tpu.memory_space<vmem>>) target(%dma_start3A_447 : memref<400x64xf32, #tpu.memory_space<hbm>>) target_semaphore(%arg12 : memref<!tpu.dma_semaphore, #tpu.memory_space<semaphore_mem>>)
    %dma_wait3A_452 = arith.constant 3 : i32
    %dma_wait3A_453 = arith.constant 0 : i32
    %dma_wait3A_454 = arith.constant 0 : i32
    %dma_wait3A_455 = tpu.memref_slice %arg6[%dma_wait3A_452, %dma_wait3A_453, %dma_wait3A_454] : memref<4x400x64xf32, #tpu.memory_space<vmem>> -> memref<1x400x64xf32, #tpu.memory_space<vmem>>
    %dma_wait3A_456 = tpu.memref_squeeze %dma_wait3A_455 : memref<1x400x64xf32, #tpu.memory_space<vmem>> -> memref<400x64xf32, #tpu.memory_space<vmem>>
    %dma_wait3A_457 = arith.constant 0 : i32
    %dma_wait3A_458 = tpu.memref_slice %arg4[%add3A_342, %dma_wait3A_457] : memref<204800x64xf32, #tpu.memory_space<hbm>> -> memref<400x64xf32, #tpu.memory_space<hbm>>
    %dma_wait3A_459 = arith.constant 0 : i32
    %dma_wait3A_460 = tpu.memref_slice %arg4[%add3A_342, %dma_wait3A_459] : memref<204800x64xf32, #tpu.memory_space<hbm>> -> memref<400x64xf32, #tpu.memory_space<hbm>>
    %dma_wait3A_461 = arith.constant 0 : i32
    %dma_wait3A_462 = arith.constant 0 : i32
    %dma_wait3A_463 = tpu.memref_slice %arg6[%dma_wait3A_452, %dma_wait3A_461, %dma_wait3A_462] : memref<4x400x64xf32, #tpu.memory_space<vmem>> -> memref<1x400x64xf32, #tpu.memory_space<vmem>>
    %dma_wait3A_464 = tpu.memref_squeeze %dma_wait3A_463 : memref<1x400x64xf32, #tpu.memory_space<vmem>> -> memref<400x64xf32, #tpu.memory_space<vmem>>
    tpu.wait_dma2 semaphore(%arg14 : memref<!tpu.dma_semaphore, #tpu.memory_space<semaphore_mem>>) src(%dma_wait3A_464 : memref<400x64xf32, #tpu.memory_space<vmem>>) dst(%dma_wait3A_460 : memref<400x64xf32, #tpu.memory_space<hbm>>)
    %dma_start3A_465 = arith.constant 3 : i32
    %dma_start3A_466 = arith.constant 0 : i32
    %dma_start3A_467 = arith.constant 0 : i32
    %dma_start3A_468 = tpu.memref_slice %arg6[%dma_start3A_465, %dma_start3A_466, %dma_start3A_467] : memref<4x400x64xf32, #tpu.memory_space<vmem>> -> memref<1x400x64xf32, #tpu.memory_space<vmem>>
    %dma_start3A_469 = tpu.memref_squeeze %dma_start3A_468 : memref<1x400x64xf32, #tpu.memory_space<vmem>> -> memref<400x64xf32, #tpu.memory_space<vmem>>
    %dma_start3A_470 = arith.constant 4400 : i32
    %dma_start3A_471 = tpu.memref_slice %arg5[%dma_start3A_470] : memref<6400xi32, #tpu.memory_space<vmem>> -> memref<400xi32, #tpu.memory_space<vmem>>
    %dma_start3A_472 = arith.constant 0 : i32
    %dma_start3A_473 = arith.constant 0 : i32
    %dma_start3A_474 = tpu.memref_slice %arg3[%dma_start3A_472, %dma_start3A_473] : memref<100001x64xf32, #tpu.memory_space<hbm>> -> memref<100001x64xf32, #tpu.memory_space<hbm>>
    tpu.enqueue_indirect_dma source(%dma_start3A_474 : memref<100001x64xf32, #tpu.memory_space<hbm>>) target(%dma_start3A_469 : memref<400x64xf32, #tpu.memory_space<vmem>>) offsets(%dma_start3A_471 : memref<400xi32, #tpu.memory_space<vmem>>) semaphore(%arg10 : memref<!tpu.dma_semaphore, #tpu.memory_space<semaphore_mem>>)
    %dma_wait3A_475 = arith.constant 2 : i32
    %dma_wait3A_476 = arith.constant 0 : i32
    %dma_wait3A_477 = arith.constant 0 : i32
    %dma_wait3A_478 = tpu.memref_slice %arg6[%dma_wait3A_475, %dma_wait3A_476, %dma_wait3A_477] : memref<4x400x64xf32, #tpu.memory_space<vmem>> -> memref<1x400x64xf32, #tpu.memory_space<vmem>>
    %dma_wait3A_479 = tpu.memref_squeeze %dma_wait3A_478 : memref<1x400x64xf32, #tpu.memory_space<vmem>> -> memref<400x64xf32, #tpu.memory_space<vmem>>
    %dma_wait3A_480 = arith.constant 4000 : i32
    %dma_wait3A_481 = tpu.memref_slice %arg5[%dma_wait3A_480] : memref<6400xi32, #tpu.memory_space<vmem>> -> memref<400xi32, #tpu.memory_space<vmem>>
    %dma_wait3A_482 = arith.constant 0 : i32
    %dma_wait3A_483 = arith.constant 0 : i32
    %dma_wait3A_484 = tpu.memref_slice %arg3[%dma_wait3A_482, %dma_wait3A_483] : memref<100001x64xf32, #tpu.memory_space<hbm>> -> memref<100001x64xf32, #tpu.memory_space<hbm>>
    tpu.wait_indirect_dma semaphore(%arg9 : memref<!tpu.dma_semaphore, #tpu.memory_space<semaphore_mem>>) src(%dma_wait3A_484 : memref<100001x64xf32, #tpu.memory_space<hbm>>) dst(%dma_wait3A_479 : memref<400x64xf32, #tpu.memory_space<vmem>>)
    %add3A_485 = arith.constant 4000 : i32
    %add3A_486 = arith.addi %mul3A_2, %add3A_485 : i32
    %dma_start3A_487 = arith.constant 2 : i32
    %dma_start3A_488 = arith.constant 0 : i32
    %dma_start3A_489 = arith.constant 0 : i32
    %dma_start3A_490 = tpu.memref_slice %arg6[%dma_start3A_487, %dma_start3A_488, %dma_start3A_489] : memref<4x400x64xf32, #tpu.memory_space<vmem>> -> memref<1x400x64xf32, #tpu.memory_space<vmem>>
    %dma_start3A_491 = tpu.memref_squeeze %dma_start3A_490 : memref<1x400x64xf32, #tpu.memory_space<vmem>> -> memref<400x64xf32, #tpu.memory_space<vmem>>
    %dma_start3A_492 = arith.constant 0 : i32
    %dma_start3A_493 = tpu.memref_slice %arg4[%add3A_486, %dma_start3A_492] : memref<204800x64xf32, #tpu.memory_space<hbm>> -> memref<400x64xf32, #tpu.memory_space<hbm>>
    %dma_start3A_494 = arith.constant 0 : i32
    %dma_start3A_495 = tpu.memref_slice %arg4[%add3A_486, %dma_start3A_494] : memref<204800x64xf32, #tpu.memory_space<hbm>> -> memref<400x64xf32, #tpu.memory_space<hbm>>
    %dma_start3A_496 = arith.constant 0 : i32
    %dma_start3A_497 = arith.constant 0 : i32
    %dma_start3A_498 = tpu.memref_slice %arg6[%dma_start3A_487, %dma_start3A_496, %dma_start3A_497] : memref<4x400x64xf32, #tpu.memory_space<vmem>> -> memref<1x400x64xf32, #tpu.memory_space<vmem>>
    %dma_start3A_499 = tpu.memref_squeeze %dma_start3A_498 : memref<1x400x64xf32, #tpu.memory_space<vmem>> -> memref<400x64xf32, #tpu.memory_space<vmem>>
    tpu.enqueue_dma source(%dma_start3A_499 : memref<400x64xf32, #tpu.memory_space<vmem>>) target(%dma_start3A_495 : memref<400x64xf32, #tpu.memory_space<hbm>>) target_semaphore(%arg13 : memref<!tpu.dma_semaphore, #tpu.memory_space<semaphore_mem>>)
    %dma_wait3A_500 = arith.constant 0 : i32
    %dma_wait3A_501 = arith.constant 0 : i32
    %dma_wait3A_502 = arith.constant 0 : i32
    %dma_wait3A_503 = tpu.memref_slice %arg6[%dma_wait3A_500, %dma_wait3A_501, %dma_wait3A_502] : memref<4x400x64xf32, #tpu.memory_space<vmem>> -> memref<1x400x64xf32, #tpu.memory_space<vmem>>
    %dma_wait3A_504 = tpu.memref_squeeze %dma_wait3A_503 : memref<1x400x64xf32, #tpu.memory_space<vmem>> -> memref<400x64xf32, #tpu.memory_space<vmem>>
    %dma_wait3A_505 = arith.constant 0 : i32
    %dma_wait3A_506 = tpu.memref_slice %arg4[%add3A_390, %dma_wait3A_505] : memref<204800x64xf32, #tpu.memory_space<hbm>> -> memref<400x64xf32, #tpu.memory_space<hbm>>
    %dma_wait3A_507 = arith.constant 0 : i32
    %dma_wait3A_508 = tpu.memref_slice %arg4[%add3A_390, %dma_wait3A_507] : memref<204800x64xf32, #tpu.memory_space<hbm>> -> memref<400x64xf32, #tpu.memory_space<hbm>>
    %dma_wait3A_509 = arith.constant 0 : i32
    %dma_wait3A_510 = arith.constant 0 : i32
    %dma_wait3A_511 = tpu.memref_slice %arg6[%dma_wait3A_500, %dma_wait3A_509, %dma_wait3A_510] : memref<4x400x64xf32, #tpu.memory_space<vmem>> -> memref<1x400x64xf32, #tpu.memory_space<vmem>>
    %dma_wait3A_512 = tpu.memref_squeeze %dma_wait3A_511 : memref<1x400x64xf32, #tpu.memory_space<vmem>> -> memref<400x64xf32, #tpu.memory_space<vmem>>
    tpu.wait_dma2 semaphore(%arg11 : memref<!tpu.dma_semaphore, #tpu.memory_space<semaphore_mem>>) src(%dma_wait3A_512 : memref<400x64xf32, #tpu.memory_space<vmem>>) dst(%dma_wait3A_508 : memref<400x64xf32, #tpu.memory_space<hbm>>)
    %dma_start3A_513 = arith.constant 0 : i32
    %dma_start3A_514 = arith.constant 0 : i32
    %dma_start3A_515 = arith.constant 0 : i32
    %dma_start3A_516 = tpu.memref_slice %arg6[%dma_start3A_513, %dma_start3A_514, %dma_start3A_515] : memref<4x400x64xf32, #tpu.memory_space<vmem>> -> memref<1x400x64xf32, #tpu.memory_space<vmem>>
    %dma_start3A_517 = tpu.memref_squeeze %dma_start3A_516 : memref<1x400x64xf32, #tpu.memory_space<vmem>> -> memref<400x64xf32, #tpu.memory_space<vmem>>
    %dma_start3A_518 = arith.constant 4800 : i32
    %dma_start3A_519 = tpu.memref_slice %arg5[%dma_start3A_518] : memref<6400xi32, #tpu.memory_space<vmem>> -> memref<400xi32, #tpu.memory_space<vmem>>
    %dma_start3A_520 = arith.constant 0 : i32
    %dma_start3A_521 = arith.constant 0 : i32
    %dma_start3A_522 = tpu.memref_slice %arg3[%dma_start3A_520, %dma_start3A_521] : memref<100001x64xf32, #tpu.memory_space<hbm>> -> memref<100001x64xf32, #tpu.memory_space<hbm>>
    tpu.enqueue_indirect_dma source(%dma_start3A_522 : memref<100001x64xf32, #tpu.memory_space<hbm>>) target(%dma_start3A_517 : memref<400x64xf32, #tpu.memory_space<vmem>>) offsets(%dma_start3A_519 : memref<400xi32, #tpu.memory_space<vmem>>) semaphore(%arg7 : memref<!tpu.dma_semaphore, #tpu.memory_space<semaphore_mem>>)
    %dma_wait3A_523 = arith.constant 3 : i32
    %dma_wait3A_524 = arith.constant 0 : i32
    %dma_wait3A_525 = arith.constant 0 : i32
    %dma_wait3A_526 = tpu.memref_slice %arg6[%dma_wait3A_523, %dma_wait3A_524, %dma_wait3A_525] : memref<4x400x64xf32, #tpu.memory_space<vmem>> -> memref<1x400x64xf32, #tpu.memory_space<vmem>>
    %dma_wait3A_527 = tpu.memref_squeeze %dma_wait3A_526 : memref<1x400x64xf32, #tpu.memory_space<vmem>> -> memref<400x64xf32, #tpu.memory_space<vmem>>
    %dma_wait3A_528 = arith.constant 4400 : i32
    %dma_wait3A_529 = tpu.memref_slice %arg5[%dma_wait3A_528] : memref<6400xi32, #tpu.memory_space<vmem>> -> memref<400xi32, #tpu.memory_space<vmem>>
    %dma_wait3A_530 = arith.constant 0 : i32
    %dma_wait3A_531 = arith.constant 0 : i32
    %dma_wait3A_532 = tpu.memref_slice %arg3[%dma_wait3A_530, %dma_wait3A_531] : memref<100001x64xf32, #tpu.memory_space<hbm>> -> memref<100001x64xf32, #tpu.memory_space<hbm>>
    tpu.wait_indirect_dma semaphore(%arg10 : memref<!tpu.dma_semaphore, #tpu.memory_space<semaphore_mem>>) src(%dma_wait3A_532 : memref<100001x64xf32, #tpu.memory_space<hbm>>) dst(%dma_wait3A_527 : memref<400x64xf32, #tpu.memory_space<vmem>>)
    %add3A_533 = arith.constant 4400 : i32
    %add3A_534 = arith.addi %mul3A_2, %add3A_533 : i32
    %dma_start3A_535 = arith.constant 3 : i32
    %dma_start3A_536 = arith.constant 0 : i32
    %dma_start3A_537 = arith.constant 0 : i32
    %dma_start3A_538 = tpu.memref_slice %arg6[%dma_start3A_535, %dma_start3A_536, %dma_start3A_537] : memref<4x400x64xf32, #tpu.memory_space<vmem>> -> memref<1x400x64xf32, #tpu.memory_space<vmem>>
    %dma_start3A_539 = tpu.memref_squeeze %dma_start3A_538 : memref<1x400x64xf32, #tpu.memory_space<vmem>> -> memref<400x64xf32, #tpu.memory_space<vmem>>
    %dma_start3A_540 = arith.constant 0 : i32
    %dma_start3A_541 = tpu.memref_slice %arg4[%add3A_534, %dma_start3A_540] : memref<204800x64xf32, #tpu.memory_space<hbm>> -> memref<400x64xf32, #tpu.memory_space<hbm>>
    %dma_start3A_542 = arith.constant 0 : i32
    %dma_start3A_543 = tpu.memref_slice %arg4[%add3A_534, %dma_start3A_542] : memref<204800x64xf32, #tpu.memory_space<hbm>> -> memref<400x64xf32, #tpu.memory_space<hbm>>
    %dma_start3A_544 = arith.constant 0 : i32
    %dma_start3A_545 = arith.constant 0 : i32
    %dma_start3A_546 = tpu.memref_slice %arg6[%dma_start3A_535, %dma_start3A_544, %dma_start3A_545] : memref<4x400x64xf32, #tpu.memory_space<vmem>> -> memref<1x400x64xf32, #tpu.memory_space<vmem>>
    %dma_start3A_547 = tpu.memref_squeeze %dma_start3A_546 : memref<1x400x64xf32, #tpu.memory_space<vmem>> -> memref<400x64xf32, #tpu.memory_space<vmem>>
    tpu.enqueue_dma source(%dma_start3A_547 : memref<400x64xf32, #tpu.memory_space<vmem>>) target(%dma_start3A_543 : memref<400x64xf32, #tpu.memory_space<hbm>>) target_semaphore(%arg14 : memref<!tpu.dma_semaphore, #tpu.memory_space<semaphore_mem>>)
    %dma_wait3A_548 = arith.constant 1 : i32
    %dma_wait3A_549 = arith.constant 0 : i32
    %dma_wait3A_550 = arith.constant 0 : i32
    %dma_wait3A_551 = tpu.memref_slice %arg6[%dma_wait3A_548, %dma_wait3A_549, %dma_wait3A_550] : memref<4x400x64xf32, #tpu.memory_space<vmem>> -> memref<1x400x64xf32, #tpu.memory_space<vmem>>
    %dma_wait3A_552 = tpu.memref_squeeze %dma_wait3A_551 : memref<1x400x64xf32, #tpu.memory_space<vmem>> -> memref<400x64xf32, #tpu.memory_space<vmem>>
    %dma_wait3A_553 = arith.constant 0 : i32
    %dma_wait3A_554 = tpu.memref_slice %arg4[%add3A_438, %dma_wait3A_553] : memref<204800x64xf32, #tpu.memory_space<hbm>> -> memref<400x64xf32, #tpu.memory_space<hbm>>
    %dma_wait3A_555 = arith.constant 0 : i32
    %dma_wait3A_556 = tpu.memref_slice %arg4[%add3A_438, %dma_wait3A_555] : memref<204800x64xf32, #tpu.memory_space<hbm>> -> memref<400x64xf32, #tpu.memory_space<hbm>>
    %dma_wait3A_557 = arith.constant 0 : i32
    %dma_wait3A_558 = arith.constant 0 : i32
    %dma_wait3A_559 = tpu.memref_slice %arg6[%dma_wait3A_548, %dma_wait3A_557, %dma_wait3A_558] : memref<4x400x64xf32, #tpu.memory_space<vmem>> -> memref<1x400x64xf32, #tpu.memory_space<vmem>>
    %dma_wait3A_560 = tpu.memref_squeeze %dma_wait3A_559 : memref<1x400x64xf32, #tpu.memory_space<vmem>> -> memref<400x64xf32, #tpu.memory_space<vmem>>
    tpu.wait_dma2 semaphore(%arg12 : memref<!tpu.dma_semaphore, #tpu.memory_space<semaphore_mem>>) src(%dma_wait3A_560 : memref<400x64xf32, #tpu.memory_space<vmem>>) dst(%dma_wait3A_556 : memref<400x64xf32, #tpu.memory_space<hbm>>)
    %dma_start3A_561 = arith.constant 1 : i32
    %dma_start3A_562 = arith.constant 0 : i32
    %dma_start3A_563 = arith.constant 0 : i32
    %dma_start3A_564 = tpu.memref_slice %arg6[%dma_start3A_561, %dma_start3A_562, %dma_start3A_563] : memref<4x400x64xf32, #tpu.memory_space<vmem>> -> memref<1x400x64xf32, #tpu.memory_space<vmem>>
    %dma_start3A_565 = tpu.memref_squeeze %dma_start3A_564 : memref<1x400x64xf32, #tpu.memory_space<vmem>> -> memref<400x64xf32, #tpu.memory_space<vmem>>
    %dma_start3A_566 = arith.constant 5200 : i32
    %dma_start3A_567 = tpu.memref_slice %arg5[%dma_start3A_566] : memref<6400xi32, #tpu.memory_space<vmem>> -> memref<400xi32, #tpu.memory_space<vmem>>
    %dma_start3A_568 = arith.constant 0 : i32
    %dma_start3A_569 = arith.constant 0 : i32
    %dma_start3A_570 = tpu.memref_slice %arg3[%dma_start3A_568, %dma_start3A_569] : memref<100001x64xf32, #tpu.memory_space<hbm>> -> memref<100001x64xf32, #tpu.memory_space<hbm>>
    tpu.enqueue_indirect_dma source(%dma_start3A_570 : memref<100001x64xf32, #tpu.memory_space<hbm>>) target(%dma_start3A_565 : memref<400x64xf32, #tpu.memory_space<vmem>>) offsets(%dma_start3A_567 : memref<400xi32, #tpu.memory_space<vmem>>) semaphore(%arg8 : memref<!tpu.dma_semaphore, #tpu.memory_space<semaphore_mem>>)
    %dma_wait3A_571 = arith.constant 0 : i32
    %dma_wait3A_572 = arith.constant 0 : i32
    %dma_wait3A_573 = arith.constant 0 : i32
    %dma_wait3A_574 = tpu.memref_slice %arg6[%dma_wait3A_571, %dma_wait3A_572, %dma_wait3A_573] : memref<4x400x64xf32, #tpu.memory_space<vmem>> -> memref<1x400x64xf32, #tpu.memory_space<vmem>>
    %dma_wait3A_575 = tpu.memref_squeeze %dma_wait3A_574 : memref<1x400x64xf32, #tpu.memory_space<vmem>> -> memref<400x64xf32, #tpu.memory_space<vmem>>
    %dma_wait3A_576 = arith.constant 4800 : i32
    %dma_wait3A_577 = tpu.memref_slice %arg5[%dma_wait3A_576] : memref<6400xi32, #tpu.memory_space<vmem>> -> memref<400xi32, #tpu.memory_space<vmem>>
    %dma_wait3A_578 = arith.constant 0 : i32
    %dma_wait3A_579 = arith.constant 0 : i32
    %dma_wait3A_580 = tpu.memref_slice %arg3[%dma_wait3A_578, %dma_wait3A_579] : memref<100001x64xf32, #tpu.memory_space<hbm>> -> memref<100001x64xf32, #tpu.memory_space<hbm>>
    tpu.wait_indirect_dma semaphore(%arg7 : memref<!tpu.dma_semaphore, #tpu.memory_space<semaphore_mem>>) src(%dma_wait3A_580 : memref<100001x64xf32, #tpu.memory_space<hbm>>) dst(%dma_wait3A_575 : memref<400x64xf32, #tpu.memory_space<vmem>>)
    %add3A_581 = arith.constant 4800 : i32
    %add3A_582 = arith.addi %mul3A_2, %add3A_581 : i32
    %dma_start3A_583 = arith.constant 0 : i32
    %dma_start3A_584 = arith.constant 0 : i32
    %dma_start3A_585 = arith.constant 0 : i32
    %dma_start3A_586 = tpu.memref_slice %arg6[%dma_start3A_583, %dma_start3A_584, %dma_start3A_585] : memref<4x400x64xf32, #tpu.memory_space<vmem>> -> memref<1x400x64xf32, #tpu.memory_space<vmem>>
    %dma_start3A_587 = tpu.memref_squeeze %dma_start3A_586 : memref<1x400x64xf32, #tpu.memory_space<vmem>> -> memref<400x64xf32, #tpu.memory_space<vmem>>
    %dma_start3A_588 = arith.constant 0 : i32
    %dma_start3A_589 = tpu.memref_slice %arg4[%add3A_582, %dma_start3A_588] : memref<204800x64xf32, #tpu.memory_space<hbm>> -> memref<400x64xf32, #tpu.memory_space<hbm>>
    %dma_start3A_590 = arith.constant 0 : i32
    %dma_start3A_591 = tpu.memref_slice %arg4[%add3A_582, %dma_start3A_590] : memref<204800x64xf32, #tpu.memory_space<hbm>> -> memref<400x64xf32, #tpu.memory_space<hbm>>
    %dma_start3A_592 = arith.constant 0 : i32
    %dma_start3A_593 = arith.constant 0 : i32
    %dma_start3A_594 = tpu.memref_slice %arg6[%dma_start3A_583, %dma_start3A_592, %dma_start3A_593] : memref<4x400x64xf32, #tpu.memory_space<vmem>> -> memref<1x400x64xf32, #tpu.memory_space<vmem>>
    %dma_start3A_595 = tpu.memref_squeeze %dma_start3A_594 : memref<1x400x64xf32, #tpu.memory_space<vmem>> -> memref<400x64xf32, #tpu.memory_space<vmem>>
    tpu.enqueue_dma source(%dma_start3A_595 : memref<400x64xf32, #tpu.memory_space<vmem>>) target(%dma_start3A_591 : memref<400x64xf32, #tpu.memory_space<hbm>>) target_semaphore(%arg11 : memref<!tpu.dma_semaphore, #tpu.memory_space<semaphore_mem>>)
    %dma_wait3A_596 = arith.constant 2 : i32
    %dma_wait3A_597 = arith.constant 0 : i32
    %dma_wait3A_598 = arith.constant 0 : i32
    %dma_wait3A_599 = tpu.memref_slice %arg6[%dma_wait3A_596, %dma_wait3A_597, %dma_wait3A_598] : memref<4x400x64xf32, #tpu.memory_space<vmem>> -> memref<1x400x64xf32, #tpu.memory_space<vmem>>
    %dma_wait3A_600 = tpu.memref_squeeze %dma_wait3A_599 : memref<1x400x64xf32, #tpu.memory_space<vmem>> -> memref<400x64xf32, #tpu.memory_space<vmem>>
    %dma_wait3A_601 = arith.constant 0 : i32
    %dma_wait3A_602 = tpu.memref_slice %arg4[%add3A_486, %dma_wait3A_601] : memref<204800x64xf32, #tpu.memory_space<hbm>> -> memref<400x64xf32, #tpu.memory_space<hbm>>
    %dma_wait3A_603 = arith.constant 0 : i32
    %dma_wait3A_604 = tpu.memref_slice %arg4[%add3A_486, %dma_wait3A_603] : memref<204800x64xf32, #tpu.memory_space<hbm>> -> memref<400x64xf32, #tpu.memory_space<hbm>>
    %dma_wait3A_605 = arith.constant 0 : i32
    %dma_wait3A_606 = arith.constant 0 : i32
    %dma_wait3A_607 = tpu.memref_slice %arg6[%dma_wait3A_596, %dma_wait3A_605, %dma_wait3A_606] : memref<4x400x64xf32, #tpu.memory_space<vmem>> -> memref<1x400x64xf32, #tpu.memory_space<vmem>>
    %dma_wait3A_608 = tpu.memref_squeeze %dma_wait3A_607 : memref<1x400x64xf32, #tpu.memory_space<vmem>> -> memref<400x64xf32, #tpu.memory_space<vmem>>
    tpu.wait_dma2 semaphore(%arg13 : memref<!tpu.dma_semaphore, #tpu.memory_space<semaphore_mem>>) src(%dma_wait3A_608 : memref<400x64xf32, #tpu.memory_space<vmem>>) dst(%dma_wait3A_604 : memref<400x64xf32, #tpu.memory_space<hbm>>)
    %dma_start3A_609 = arith.constant 2 : i32
    %dma_start3A_610 = arith.constant 0 : i32
    %dma_start3A_611 = arith.constant 0 : i32
    %dma_start3A_612 = tpu.memref_slice %arg6[%dma_start3A_609, %dma_start3A_610, %dma_start3A_611] : memref<4x400x64xf32, #tpu.memory_space<vmem>> -> memref<1x400x64xf32, #tpu.memory_space<vmem>>
    %dma_start3A_613 = tpu.memref_squeeze %dma_start3A_612 : memref<1x400x64xf32, #tpu.memory_space<vmem>> -> memref<400x64xf32, #tpu.memory_space<vmem>>
    %dma_start3A_614 = arith.constant 5600 : i32
    %dma_start3A_615 = tpu.memref_slice %arg5[%dma_start3A_614] : memref<6400xi32, #tpu.memory_space<vmem>> -> memref<400xi32, #tpu.memory_space<vmem>>
    %dma_start3A_616 = arith.constant 0 : i32
    %dma_start3A_617 = arith.constant 0 : i32
    %dma_start3A_618 = tpu.memref_slice %arg3[%dma_start3A_616, %dma_start3A_617] : memref<100001x64xf32, #tpu.memory_space<hbm>> -> memref<100001x64xf32, #tpu.memory_space<hbm>>
    tpu.enqueue_indirect_dma source(%dma_start3A_618 : memref<100001x64xf32, #tpu.memory_space<hbm>>) target(%dma_start3A_613 : memref<400x64xf32, #tpu.memory_space<vmem>>) offsets(%dma_start3A_615 : memref<400xi32, #tpu.memory_space<vmem>>) semaphore(%arg9 : memref<!tpu.dma_semaphore, #tpu.memory_space<semaphore_mem>>)
    %dma_wait3A_619 = arith.constant 1 : i32
    %dma_wait3A_620 = arith.constant 0 : i32
    %dma_wait3A_621 = arith.constant 0 : i32
    %dma_wait3A_622 = tpu.memref_slice %arg6[%dma_wait3A_619, %dma_wait3A_620, %dma_wait3A_621] : memref<4x400x64xf32, #tpu.memory_space<vmem>> -> memref<1x400x64xf32, #tpu.memory_space<vmem>>
    %dma_wait3A_623 = tpu.memref_squeeze %dma_wait3A_622 : memref<1x400x64xf32, #tpu.memory_space<vmem>> -> memref<400x64xf32, #tpu.memory_space<vmem>>
    %dma_wait3A_624 = arith.constant 5200 : i32
    %dma_wait3A_625 = tpu.memref_slice %arg5[%dma_wait3A_624] : memref<6400xi32, #tpu.memory_space<vmem>> -> memref<400xi32, #tpu.memory_space<vmem>>
    %dma_wait3A_626 = arith.constant 0 : i32
    %dma_wait3A_627 = arith.constant 0 : i32
    %dma_wait3A_628 = tpu.memref_slice %arg3[%dma_wait3A_626, %dma_wait3A_627] : memref<100001x64xf32, #tpu.memory_space<hbm>> -> memref<100001x64xf32, #tpu.memory_space<hbm>>
    tpu.wait_indirect_dma semaphore(%arg8 : memref<!tpu.dma_semaphore, #tpu.memory_space<semaphore_mem>>) src(%dma_wait3A_628 : memref<100001x64xf32, #tpu.memory_space<hbm>>) dst(%dma_wait3A_623 : memref<400x64xf32, #tpu.memory_space<vmem>>)
    %add3A_629 = arith.constant 5200 : i32
    %add3A_630 = arith.addi %mul3A_2, %add3A_629 : i32
    %dma_start3A_631 = arith.constant 1 : i32
    %dma_start3A_632 = arith.constant 0 : i32
    %dma_start3A_633 = arith.constant 0 : i32
    %dma_start3A_634 = tpu.memref_slice %arg6[%dma_start3A_631, %dma_start3A_632, %dma_start3A_633] : memref<4x400x64xf32, #tpu.memory_space<vmem>> -> memref<1x400x64xf32, #tpu.memory_space<vmem>>
    %dma_start3A_635 = tpu.memref_squeeze %dma_start3A_634 : memref<1x400x64xf32, #tpu.memory_space<vmem>> -> memref<400x64xf32, #tpu.memory_space<vmem>>
    %dma_start3A_636 = arith.constant 0 : i32
    %dma_start3A_637 = tpu.memref_slice %arg4[%add3A_630, %dma_start3A_636] : memref<204800x64xf32, #tpu.memory_space<hbm>> -> memref<400x64xf32, #tpu.memory_space<hbm>>
    %dma_start3A_638 = arith.constant 0 : i32
    %dma_start3A_639 = tpu.memref_slice %arg4[%add3A_630, %dma_start3A_638] : memref<204800x64xf32, #tpu.memory_space<hbm>> -> memref<400x64xf32, #tpu.memory_space<hbm>>
    %dma_start3A_640 = arith.constant 0 : i32
    %dma_start3A_641 = arith.constant 0 : i32
    %dma_start3A_642 = tpu.memref_slice %arg6[%dma_start3A_631, %dma_start3A_640, %dma_start3A_641] : memref<4x400x64xf32, #tpu.memory_space<vmem>> -> memref<1x400x64xf32, #tpu.memory_space<vmem>>
    %dma_start3A_643 = tpu.memref_squeeze %dma_start3A_642 : memref<1x400x64xf32, #tpu.memory_space<vmem>> -> memref<400x64xf32, #tpu.memory_space<vmem>>
    tpu.enqueue_dma source(%dma_start3A_643 : memref<400x64xf32, #tpu.memory_space<vmem>>) target(%dma_start3A_639 : memref<400x64xf32, #tpu.memory_space<hbm>>) target_semaphore(%arg12 : memref<!tpu.dma_semaphore, #tpu.memory_space<semaphore_mem>>)
    %dma_wait3A_644 = arith.constant 3 : i32
    %dma_wait3A_645 = arith.constant 0 : i32
    %dma_wait3A_646 = arith.constant 0 : i32
    %dma_wait3A_647 = tpu.memref_slice %arg6[%dma_wait3A_644, %dma_wait3A_645, %dma_wait3A_646] : memref<4x400x64xf32, #tpu.memory_space<vmem>> -> memref<1x400x64xf32, #tpu.memory_space<vmem>>
    %dma_wait3A_648 = tpu.memref_squeeze %dma_wait3A_647 : memref<1x400x64xf32, #tpu.memory_space<vmem>> -> memref<400x64xf32, #tpu.memory_space<vmem>>
    %dma_wait3A_649 = arith.constant 0 : i32
    %dma_wait3A_650 = tpu.memref_slice %arg4[%add3A_534, %dma_wait3A_649] : memref<204800x64xf32, #tpu.memory_space<hbm>> -> memref<400x64xf32, #tpu.memory_space<hbm>>
    %dma_wait3A_651 = arith.constant 0 : i32
    %dma_wait3A_652 = tpu.memref_slice %arg4[%add3A_534, %dma_wait3A_651] : memref<204800x64xf32, #tpu.memory_space<hbm>> -> memref<400x64xf32, #tpu.memory_space<hbm>>
    %dma_wait3A_653 = arith.constant 0 : i32
    %dma_wait3A_654 = arith.constant 0 : i32
    %dma_wait3A_655 = tpu.memref_slice %arg6[%dma_wait3A_644, %dma_wait3A_653, %dma_wait3A_654] : memref<4x400x64xf32, #tpu.memory_space<vmem>> -> memref<1x400x64xf32, #tpu.memory_space<vmem>>
    %dma_wait3A_656 = tpu.memref_squeeze %dma_wait3A_655 : memref<1x400x64xf32, #tpu.memory_space<vmem>> -> memref<400x64xf32, #tpu.memory_space<vmem>>
    tpu.wait_dma2 semaphore(%arg14 : memref<!tpu.dma_semaphore, #tpu.memory_space<semaphore_mem>>) src(%dma_wait3A_656 : memref<400x64xf32, #tpu.memory_space<vmem>>) dst(%dma_wait3A_652 : memref<400x64xf32, #tpu.memory_space<hbm>>)
    %dma_start3A_657 = arith.constant 3 : i32
    %dma_start3A_658 = arith.constant 0 : i32
    %dma_start3A_659 = arith.constant 0 : i32
    %dma_start3A_660 = tpu.memref_slice %arg6[%dma_start3A_657, %dma_start3A_658, %dma_start3A_659] : memref<4x400x64xf32, #tpu.memory_space<vmem>> -> memref<1x400x64xf32, #tpu.memory_space<vmem>>
    %dma_start3A_661 = tpu.memref_squeeze %dma_start3A_660 : memref<1x400x64xf32, #tpu.memory_space<vmem>> -> memref<400x64xf32, #tpu.memory_space<vmem>>
    %dma_start3A_662 = arith.constant 6000 : i32
    %dma_start3A_663 = tpu.memref_slice %arg5[%dma_start3A_662] : memref<6400xi32, #tpu.memory_space<vmem>> -> memref<400xi32, #tpu.memory_space<vmem>>
    %dma_start3A_664 = arith.constant 0 : i32
    %dma_start3A_665 = arith.constant 0 : i32
    %dma_start3A_666 = tpu.memref_slice %arg3[%dma_start3A_664, %dma_start3A_665] : memref<100001x64xf32, #tpu.memory_space<hbm>> -> memref<100001x64xf32, #tpu.memory_space<hbm>>
    tpu.enqueue_indirect_dma source(%dma_start3A_666 : memref<100001x64xf32, #tpu.memory_space<hbm>>) target(%dma_start3A_661 : memref<400x64xf32, #tpu.memory_space<vmem>>) offsets(%dma_start3A_663 : memref<400xi32, #tpu.memory_space<vmem>>) semaphore(%arg10 : memref<!tpu.dma_semaphore, #tpu.memory_space<semaphore_mem>>)
    %dma_wait3A_667 = arith.constant 2 : i32
    %dma_wait3A_668 = arith.constant 0 : i32
    %dma_wait3A_669 = arith.constant 0 : i32
    %dma_wait3A_670 = tpu.memref_slice %arg6[%dma_wait3A_667, %dma_wait3A_668, %dma_wait3A_669] : memref<4x400x64xf32, #tpu.memory_space<vmem>> -> memref<1x400x64xf32, #tpu.memory_space<vmem>>
    %dma_wait3A_671 = tpu.memref_squeeze %dma_wait3A_670 : memref<1x400x64xf32, #tpu.memory_space<vmem>> -> memref<400x64xf32, #tpu.memory_space<vmem>>
    %dma_wait3A_672 = arith.constant 5600 : i32
    %dma_wait3A_673 = tpu.memref_slice %arg5[%dma_wait3A_672] : memref<6400xi32, #tpu.memory_space<vmem>> -> memref<400xi32, #tpu.memory_space<vmem>>
    %dma_wait3A_674 = arith.constant 0 : i32
    %dma_wait3A_675 = arith.constant 0 : i32
    %dma_wait3A_676 = tpu.memref_slice %arg3[%dma_wait3A_674, %dma_wait3A_675] : memref<100001x64xf32, #tpu.memory_space<hbm>> -> memref<100001x64xf32, #tpu.memory_space<hbm>>
    tpu.wait_indirect_dma semaphore(%arg9 : memref<!tpu.dma_semaphore, #tpu.memory_space<semaphore_mem>>) src(%dma_wait3A_676 : memref<100001x64xf32, #tpu.memory_space<hbm>>) dst(%dma_wait3A_671 : memref<400x64xf32, #tpu.memory_space<vmem>>)
    %add3A_677 = arith.constant 5600 : i32
    %add3A_678 = arith.addi %mul3A_2, %add3A_677 : i32
    %dma_start3A_679 = arith.constant 2 : i32
    %dma_start3A_680 = arith.constant 0 : i32
    %dma_start3A_681 = arith.constant 0 : i32
    %dma_start3A_682 = tpu.memref_slice %arg6[%dma_start3A_679, %dma_start3A_680, %dma_start3A_681] : memref<4x400x64xf32, #tpu.memory_space<vmem>> -> memref<1x400x64xf32, #tpu.memory_space<vmem>>
    %dma_start3A_683 = tpu.memref_squeeze %dma_start3A_682 : memref<1x400x64xf32, #tpu.memory_space<vmem>> -> memref<400x64xf32, #tpu.memory_space<vmem>>
    %dma_start3A_684 = arith.constant 0 : i32
    %dma_start3A_685 = tpu.memref_slice %arg4[%add3A_678, %dma_start3A_684] : memref<204800x64xf32, #tpu.memory_space<hbm>> -> memref<400x64xf32, #tpu.memory_space<hbm>>
    %dma_start3A_686 = arith.constant 0 : i32
    %dma_start3A_687 = tpu.memref_slice %arg4[%add3A_678, %dma_start3A_686] : memref<204800x64xf32, #tpu.memory_space<hbm>> -> memref<400x64xf32, #tpu.memory_space<hbm>>
    %dma_start3A_688 = arith.constant 0 : i32
    %dma_start3A_689 = arith.constant 0 : i32
    %dma_start3A_690 = tpu.memref_slice %arg6[%dma_start3A_679, %dma_start3A_688, %dma_start3A_689] : memref<4x400x64xf32, #tpu.memory_space<vmem>> -> memref<1x400x64xf32, #tpu.memory_space<vmem>>
    %dma_start3A_691 = tpu.memref_squeeze %dma_start3A_690 : memref<1x400x64xf32, #tpu.memory_space<vmem>> -> memref<400x64xf32, #tpu.memory_space<vmem>>
    tpu.enqueue_dma source(%dma_start3A_691 : memref<400x64xf32, #tpu.memory_space<vmem>>) target(%dma_start3A_687 : memref<400x64xf32, #tpu.memory_space<hbm>>) target_semaphore(%arg13 : memref<!tpu.dma_semaphore, #tpu.memory_space<semaphore_mem>>)
    %dma_wait3A_692 = arith.constant 3 : i32
    %dma_wait3A_693 = arith.constant 0 : i32
    %dma_wait3A_694 = arith.constant 0 : i32
    %dma_wait3A_695 = tpu.memref_slice %arg6[%dma_wait3A_692, %dma_wait3A_693, %dma_wait3A_694] : memref<4x400x64xf32, #tpu.memory_space<vmem>> -> memref<1x400x64xf32, #tpu.memory_space<vmem>>
    %dma_wait3A_696 = tpu.memref_squeeze %dma_wait3A_695 : memref<1x400x64xf32, #tpu.memory_space<vmem>> -> memref<400x64xf32, #tpu.memory_space<vmem>>
    %dma_wait3A_697 = arith.constant 6000 : i32
    %dma_wait3A_698 = tpu.memref_slice %arg5[%dma_wait3A_697] : memref<6400xi32, #tpu.memory_space<vmem>> -> memref<400xi32, #tpu.memory_space<vmem>>
    %dma_wait3A_699 = arith.constant 0 : i32
    %dma_wait3A_700 = arith.constant 0 : i32
    %dma_wait3A_701 = tpu.memref_slice %arg3[%dma_wait3A_699, %dma_wait3A_700] : memref<100001x64xf32, #tpu.memory_space<hbm>> -> memref<100001x64xf32, #tpu.memory_space<hbm>>
    tpu.wait_indirect_dma semaphore(%arg10 : memref<!tpu.dma_semaphore, #tpu.memory_space<semaphore_mem>>) src(%dma_wait3A_701 : memref<100001x64xf32, #tpu.memory_space<hbm>>) dst(%dma_wait3A_696 : memref<400x64xf32, #tpu.memory_space<vmem>>)
    %add3A_702 = arith.constant 6000 : i32
    %add3A_703 = arith.addi %mul3A_2, %add3A_702 : i32
    %dma_start3A_704 = arith.constant 3 : i32
    %dma_start3A_705 = arith.constant 0 : i32
    %dma_start3A_706 = arith.constant 0 : i32
    %dma_start3A_707 = tpu.memref_slice %arg6[%dma_start3A_704, %dma_start3A_705, %dma_start3A_706] : memref<4x400x64xf32, #tpu.memory_space<vmem>> -> memref<1x400x64xf32, #tpu.memory_space<vmem>>
    %dma_start3A_708 = tpu.memref_squeeze %dma_start3A_707 : memref<1x400x64xf32, #tpu.memory_space<vmem>> -> memref<400x64xf32, #tpu.memory_space<vmem>>
    %dma_start3A_709 = arith.constant 0 : i32
    %dma_start3A_710 = tpu.memref_slice %arg4[%add3A_703, %dma_start3A_709] : memref<204800x64xf32, #tpu.memory_space<hbm>> -> memref<400x64xf32, #tpu.memory_space<hbm>>
    %dma_start3A_711 = arith.constant 0 : i32
    %dma_start3A_712 = tpu.memref_slice %arg4[%add3A_703, %dma_start3A_711] : memref<204800x64xf32, #tpu.memory_space<hbm>> -> memref<400x64xf32, #tpu.memory_space<hbm>>
    %dma_start3A_713 = arith.constant 0 : i32
    %dma_start3A_714 = arith.constant 0 : i32
    %dma_start3A_715 = tpu.memref_slice %arg6[%dma_start3A_704, %dma_start3A_713, %dma_start3A_714] : memref<4x400x64xf32, #tpu.memory_space<vmem>> -> memref<1x400x64xf32, #tpu.memory_space<vmem>>
    %dma_start3A_716 = tpu.memref_squeeze %dma_start3A_715 : memref<1x400x64xf32, #tpu.memory_space<vmem>> -> memref<400x64xf32, #tpu.memory_space<vmem>>
    tpu.enqueue_dma source(%dma_start3A_716 : memref<400x64xf32, #tpu.memory_space<vmem>>) target(%dma_start3A_712 : memref<400x64xf32, #tpu.memory_space<hbm>>) target_semaphore(%arg14 : memref<!tpu.dma_semaphore, #tpu.memory_space<semaphore_mem>>)
    %dma_wait3A_717 = arith.constant 0 : i32
    %dma_wait3A_718 = arith.constant 0 : i32
    %dma_wait3A_719 = arith.constant 0 : i32
    %dma_wait3A_720 = tpu.memref_slice %arg6[%dma_wait3A_717, %dma_wait3A_718, %dma_wait3A_719] : memref<4x400x64xf32, #tpu.memory_space<vmem>> -> memref<1x400x64xf32, #tpu.memory_space<vmem>>
    %dma_wait3A_721 = tpu.memref_squeeze %dma_wait3A_720 : memref<1x400x64xf32, #tpu.memory_space<vmem>> -> memref<400x64xf32, #tpu.memory_space<vmem>>
    %dma_wait3A_722 = arith.constant 0 : i32
    %dma_wait3A_723 = tpu.memref_slice %arg4[%add3A_582, %dma_wait3A_722] : memref<204800x64xf32, #tpu.memory_space<hbm>> -> memref<400x64xf32, #tpu.memory_space<hbm>>
    %dma_wait3A_724 = arith.constant 0 : i32
    %dma_wait3A_725 = tpu.memref_slice %arg4[%add3A_582, %dma_wait3A_724] : memref<204800x64xf32, #tpu.memory_space<hbm>> -> memref<400x64xf32, #tpu.memory_space<hbm>>
    %dma_wait3A_726 = arith.constant 0 : i32
    %dma_wait3A_727 = arith.constant 0 : i32
    %dma_wait3A_728 = tpu.memref_slice %arg6[%dma_wait3A_717, %dma_wait3A_726, %dma_wait3A_727] : memref<4x400x64xf32, #tpu.memory_space<vmem>> -> memref<1x400x64xf32, #tpu.memory_space<vmem>>
    %dma_wait3A_729 = tpu.memref_squeeze %dma_wait3A_728 : memref<1x400x64xf32, #tpu.memory_space<vmem>> -> memref<400x64xf32, #tpu.memory_space<vmem>>
    tpu.wait_dma2 semaphore(%arg11 : memref<!tpu.dma_semaphore, #tpu.memory_space<semaphore_mem>>) src(%dma_wait3A_729 : memref<400x64xf32, #tpu.memory_space<vmem>>) dst(%dma_wait3A_725 : memref<400x64xf32, #tpu.memory_space<hbm>>)
    %dma_wait3A_730 = arith.constant 1 : i32
    %dma_wait3A_731 = arith.constant 0 : i32
    %dma_wait3A_732 = arith.constant 0 : i32
    %dma_wait3A_733 = tpu.memref_slice %arg6[%dma_wait3A_730, %dma_wait3A_731, %dma_wait3A_732] : memref<4x400x64xf32, #tpu.memory_space<vmem>> -> memref<1x400x64xf32, #tpu.memory_space<vmem>>
    %dma_wait3A_734 = tpu.memref_squeeze %dma_wait3A_733 : memref<1x400x64xf32, #tpu.memory_space<vmem>> -> memref<400x64xf32, #tpu.memory_space<vmem>>
    %dma_wait3A_735 = arith.constant 0 : i32
    %dma_wait3A_736 = tpu.memref_slice %arg4[%add3A_630, %dma_wait3A_735] : memref<204800x64xf32, #tpu.memory_space<hbm>> -> memref<400x64xf32, #tpu.memory_space<hbm>>
    %dma_wait3A_737 = arith.constant 0 : i32
    %dma_wait3A_738 = tpu.memref_slice %arg4[%add3A_630, %dma_wait3A_737] : memref<204800x64xf32, #tpu.memory_space<hbm>> -> memref<400x64xf32, #tpu.memory_space<hbm>>
    %dma_wait3A_739 = arith.constant 0 : i32
    %dma_wait3A_740 = arith.constant 0 : i32
    %dma_wait3A_741 = tpu.memref_slice %arg6[%dma_wait3A_730, %dma_wait3A_739, %dma_wait3A_740] : memref<4x400x64xf32, #tpu.memory_space<vmem>> -> memref<1x400x64xf32, #tpu.memory_space<vmem>>
    %dma_wait3A_742 = tpu.memref_squeeze %dma_wait3A_741 : memref<1x400x64xf32, #tpu.memory_space<vmem>> -> memref<400x64xf32, #tpu.memory_space<vmem>>
    tpu.wait_dma2 semaphore(%arg12 : memref<!tpu.dma_semaphore, #tpu.memory_space<semaphore_mem>>) src(%dma_wait3A_742 : memref<400x64xf32, #tpu.memory_space<vmem>>) dst(%dma_wait3A_738 : memref<400x64xf32, #tpu.memory_space<hbm>>)
    %dma_wait3A_743 = arith.constant 2 : i32
    %dma_wait3A_744 = arith.constant 0 : i32
    %dma_wait3A_745 = arith.constant 0 : i32
    %dma_wait3A_746 = tpu.memref_slice %arg6[%dma_wait3A_743, %dma_wait3A_744, %dma_wait3A_745] : memref<4x400x64xf32, #tpu.memory_space<vmem>> -> memref<1x400x64xf32, #tpu.memory_space<vmem>>
    %dma_wait3A_747 = tpu.memref_squeeze %dma_wait3A_746 : memref<1x400x64xf32, #tpu.memory_space<vmem>> -> memref<400x64xf32, #tpu.memory_space<vmem>>
    %dma_wait3A_748 = arith.constant 0 : i32
    %dma_wait3A_749 = tpu.memref_slice %arg4[%add3A_678, %dma_wait3A_748] : memref<204800x64xf32, #tpu.memory_space<hbm>> -> memref<400x64xf32, #tpu.memory_space<hbm>>
    %dma_wait3A_750 = arith.constant 0 : i32
    %dma_wait3A_751 = tpu.memref_slice %arg4[%add3A_678, %dma_wait3A_750] : memref<204800x64xf32, #tpu.memory_space<hbm>> -> memref<400x64xf32, #tpu.memory_space<hbm>>
    %dma_wait3A_752 = arith.constant 0 : i32
    %dma_wait3A_753 = arith.constant 0 : i32
    %dma_wait3A_754 = tpu.memref_slice %arg6[%dma_wait3A_743, %dma_wait3A_752, %dma_wait3A_753] : memref<4x400x64xf32, #tpu.memory_space<vmem>> -> memref<1x400x64xf32, #tpu.memory_space<vmem>>
    %dma_wait3A_755 = tpu.memref_squeeze %dma_wait3A_754 : memref<1x400x64xf32, #tpu.memory_space<vmem>> -> memref<400x64xf32, #tpu.memory_space<vmem>>
    tpu.wait_dma2 semaphore(%arg13 : memref<!tpu.dma_semaphore, #tpu.memory_space<semaphore_mem>>) src(%dma_wait3A_755 : memref<400x64xf32, #tpu.memory_space<vmem>>) dst(%dma_wait3A_751 : memref<400x64xf32, #tpu.memory_space<hbm>>)
    %dma_wait3A_756 = arith.constant 3 : i32
    %dma_wait3A_757 = arith.constant 0 : i32
    %dma_wait3A_758 = arith.constant 0 : i32
    %dma_wait3A_759 = tpu.memref_slice %arg6[%dma_wait3A_756, %dma_wait3A_757, %dma_wait3A_758] : memref<4x400x64xf32, #tpu.memory_space<vmem>> -> memref<1x400x64xf32, #tpu.memory_space<vmem>>
    %dma_wait3A_760 = tpu.memref_squeeze %dma_wait3A_759 : memref<1x400x64xf32, #tpu.memory_space<vmem>> -> memref<400x64xf32, #tpu.memory_space<vmem>>
    %dma_wait3A_761 = arith.constant 0 : i32
    %dma_wait3A_762 = tpu.memref_slice %arg4[%add3A_703, %dma_wait3A_761] : memref<204800x64xf32, #tpu.memory_space<hbm>> -> memref<400x64xf32, #tpu.memory_space<hbm>>
    %dma_wait3A_763 = arith.constant 0 : i32
    %dma_wait3A_764 = tpu.memref_slice %arg4[%add3A_703, %dma_wait3A_763] : memref<204800x64xf32, #tpu.memory_space<hbm>> -> memref<400x64xf32, #tpu.memory_space<hbm>>
    %dma_wait3A_765 = arith.constant 0 : i32
    %dma_wait3A_766 = arith.constant 0 : i32
    %dma_wait3A_767 = tpu.memref_slice %arg6[%dma_wait3A_756, %dma_wait3A_765, %dma_wait3A_766] : memref<4x400x64xf32, #tpu.memory_space<vmem>> -> memref<1x400x64xf32, #tpu.memory_space<vmem>>
    %dma_wait3A_768 = tpu.memref_squeeze %dma_wait3A_767 : memref<1x400x64xf32, #tpu.memory_space<vmem>> -> memref<400x64xf32, #tpu.memory_space<vmem>>
    tpu.wait_dma2 semaphore(%arg14 : memref<!tpu.dma_semaphore, #tpu.memory_space<semaphore_mem>>) src(%dma_wait3A_768 : memref<400x64xf32, #tpu.memory_space<vmem>>) dst(%dma_wait3A_764 : memref<400x64xf32, #tpu.memory_space<hbm>>)
    return
  }
}

</mosaic_0001>

<sc_bundles>
// kernel: kernel.3.cloned.1.call-start
scs
__scs_entry_jumppad:
0x0: {  	(pc) =	sbr.rel $0x88, $3  }
0x1: {  	(tag) =	ssettag $0x0;
	lr =	simm.s32 $0x1  }
0x2: {  	[smem:$0x3F9F] =	sst lr;
	_ =	strace $0xD0000000  }
0x3: {  	_ = 	snop  }
0x4: {  	_ = 	snop  }
0x5: {  	_ = 	snop  }
0x6: {  	_ = 	snop  }
0x7: {  	_ = 	snop  }
__scs_overlays_trampoline_lowered:
0x8: {  	[smem:$0x3FAE] =	sst s0  }
0x9: {  	[smem:$0x3FAF] =	sst s1  }
0xa: {  	[smem:$0x3FB0] =	sst s2  }
0xb: {  	[smem:$0x3FB1] =	sst s3  }
0xc: {  	[smem:$0x3FB2] =	sst s4  }
0xd: {  	[smem:$0x3FB3] =	sst s5  }
0xe: {  	[smem:$0x3FB4] =	sst s6  }
0xf: {  	[smem:$0x3FB5] =	sst s7  }
0x10: {  	[smem:$0x3FB6] =	sst s8  }
0x11: {  	[smem:$0x3FB7] =	sst s9;
	s0 =	simm.s32 @!p0 $0x0  }
0x12: {  	s1 =	sld [smem:$0x3F9D];
	s0 =	simm.s32 @p0 $0x1  }
0x13: {  	[smem:$0x3FB8] =	sst s0;
	s0 =	simm.s32 @!p1 $0x0  }
0x14: {  	s2 =	sld [smem:$0x3F9C];
	s0 =	simm.s32 @p1 $0x1  }
0x15: {  	[smem:$0x3FB9] =	sst s0;
	s0 =	simm.s32 @!p2 $0x0  }
0x16: {  	s3 =	sld [smem:$0x3FDB];
	s0 =	simm.s32 @p2 $0x1  }
0x17: {  	s4 =	simm.s32 $0x1BF5;
	[smem:$0x3FBB] =	sst s0  }
0x18: {  	s0 =	sld [smem:$0x3F9E];
	_ =	swait.ge [sflag:s4], $0x0  }
0x19: {  	s7 =	sld [smem:$0x3F9F]  }
0x1a: {  	s8 =	sadd.s32 $0xFFFFE003, lr  }
0x1b: {  	s9 =	sadd.s32 $0xFFFFFEF7, lr;
	s5 =	simm.s32 $0xFFFFFFFF;
	p2 =	slt.u32 s8, $0xFFFFF086  }
0x1c: {  	p1 =	slt.u32 s9, $0xF7A;
	s5 =	simm.s32 @!p2 $0x0  }
0x1d: {  	s5 =	simm.s32 @p1 $0x1;
	p0 =	seq.s32 s7, s2  }
0x1e: {  	s7 =	smul.u32 @!p0 $0xF7A, s2;
	p2 =	seq.s32 @!p0 s5, $0x0  }
0x1f: {  	s9 =	smul.u32 $0xF7A, s1;
	s8 =	simm.s32 @!p0 $0x1BF5;
	p2 =	por !p2, p0  }
0x20: {  	[sflag:s8] =	ssyncset.s32 @!p0 $0xFFFFF086;
	s6 =	sadd.s32 @!p0 s3, s7;
	s7 =	simm.s32 @!p0 $0x108  }
0x21: {  	s3 =	sadd.s32 s3, s9;
	s6 =	sadd.s32 @!p0 $0x88, s6;
	s7 =	simm.s32 @p2 $0x1082  }
0x22: {  	[simem:s7], [sflag:s8] =	dma.local @!p0 [hbm:s6], $0xF7A  }
0x23: {  	s9 =	sor.u32 $0xD0000000, s2;
	s6 =	simm.s32 $0x108;
	_ =	swait.ge @!p0 [sflag:s8], $0x0  }
0x24: {  	s3 =	sadd.s32 $0x88, s3;
	s6 =	simm.s32 @!p1 $0x1082;
	[sflag:s4] =	ssyncset.s32 $0xFFFFF086  }
0x25: {  	[simem:s6], [sflag:s4] =	dma.local [hbm:s3], $0xF7A  }
0x26: {  	[smem:$0x3F9F] =	sst s1;
	(tag) =	ssettag s2;
	_ =	strace s9  }
0x27: {  	s1 =	sld [smem:$0x3FAF]  }
0x28: {  	s2 =	sld [smem:$0x3FB0]  }
0x29: {  	s4 =	sld [smem:$0x3FB2]  }
0x2a: {  	p0 =	seq.s32 s5, $0x0;
	s5 =	sld [smem:$0x3FB3]  }
0x2b: {  	s6 =	sld [smem:$0x3FB4]  }
0x2c: {  	s7 =	sld [smem:$0x3FB5]  }
0x2d: {  	s3 =	simm.s32 $0x108;
	s8 =	sld [smem:$0x3FB6]  }
0x2e: {  	s3 =	simm.s32 @!p0 $0x1082;
	s9 =	sld [smem:$0x3FB7]  }
0x2f: {  	lr =	sadd.s32 s0, s3;
	s0 =	sld [smem:$0x3FAE]  }
0x30: {  	s3 =	sld [smem:$0x3FB1]  }
0x31: {  	[smem:$0x3FBA] =	sst s10  }
0x32: {  	s10 =	sld [smem:$0x3FB8];
	_ =	sdelay $0x3  }
0x33: {  	p0 =	seq.s32 s10, $0x1;
	s10 =	sld [smem:$0x3FBA];
	_ =	sdelay $0x3  }
0x34: {  	[smem:$0x3FBA] =	sst s10  }
0x35: {  	s10 =	sld [smem:$0x3FB9];
	_ =	sdelay $0x3  }
0x36: {  	p1 =	seq.s32 s10, $0x1;
	s10 =	sld [smem:$0x3FBA];
	_ =	sdelay $0x3  }
0x37: {  	[smem:$0x3FBA] =	sst s10  }
0x38: {  	s10 =	sld [smem:$0x3FBB]  }
0x39: {  	_ = 	snop;
	(pc) =	sbr.ind lr, $3  }
0x3a: {  	_ = 	snop  }
0x3b: {  	_ = 	snop  }
0x3c: {  	p2 =	seq.s32 s10, $0x1;
	s10 =	sld [smem:$0x3FBA]  }
0x3d: {  	_ =	shalt  }
0x3e: {  	_ =	shalt  }
0x3f: {  	_ =	shalt  }
0x40: {  	_ =	shalt  }
0x41: {  	_ =	shalt  }
0x42: {  	_ =	shalt  }
0x43: {  	_ =	shalt  }
0x44: {  	_ =	shalt  }
0x45: {  	_ =	shalt  }
0x46: {  	_ =	shalt  }
0x47: {  	_ =	shalt  }
0x48: {  	_ =	shalt  }
0x49: {  	_ =	shalt  }
0x4a: {  	_ =	shalt  }
0x4b: {  	_ =	shalt  }
0x4c: {  	_ =	shalt  }
0x4d: {  	_ =	shalt  }
0x4e: {  	_ =	shalt  }
0x4f: {  	_ =	shalt  }
0x50: {  	_ =	shalt  }
0x51: {  	_ =	shalt  }
0x52: {  	_ =	shalt  }
0x53: {  	_ =	shalt  }
0x54: {  	_ =	shalt  }
0x55: {  	_ =	shalt  }
0x56: {  	_ =	shalt  }
0x57: {  	_ =	shalt  }
0x58: {  	_ =	shalt  }
0x59: {  	_ =	shalt  }
0x5a: {  	_ =	shalt  }
0x5b: {  	_ =	shalt  }
0x5c: {  	_ =	shalt  }
0x5d: {  	_ =	shalt  }
0x5e: {  	_ =	shalt  }
0x5f: {  	_ =	shalt  }
0x60: {  	_ =	shalt  }
0x61: {  	_ =	shalt  }
0x62: {  	_ =	shalt  }
0x63: {  	_ =	shalt  }
0x64: {  	_ =	shalt  }
0x65: {  	_ =	shalt  }
0x66: {  	_ =	shalt  }
0x67: {  	_ =	shalt  }
0x68: {  	_ =	shalt  }
0x69: {  	_ =	shalt  }
0x6a: {  	_ =	shalt  }
0x6b: {  	_ =	shalt  }
0x6c: {  	_ =	shalt  }
0x6d: {  	_ =	shalt  }
0x6e: {  	_ =	shalt  }
0x6f: {  	_ =	shalt  }
0x70: {  	_ =	shalt  }
0x71: {  	_ =	shalt  }
0x72: {  	_ =	shalt  }
0x73: {  	_ =	shalt  }
0x74: {  	_ =	shalt  }
0x75: {  	_ =	shalt  }
0x76: {  	_ =	shalt  }
0x77: {  	_ =	shalt  }
0x78: {  	_ =	shalt  }
0x79: {  	_ =	shalt  }
0x7a: {  	_ =	shalt  }
0x7b: {  	_ =	shalt  }
0x7c: {  	_ =	shalt  }
0x7d: {  	_ =	shalt  }
0x7e: {  	_ =	shalt  }
0x7f: {  	_ =	shalt  }
0x80: {  	_ =	shalt  }
0x81: {  	_ =	shalt  }
0x82: {  	_ =	shalt  }
0x83: {  	_ =	shalt  }
0x84: {  	_ =	shalt  }
0x85: {  	_ =	shalt  }
0x86: {  	_ =	shalt  }
0x87: {  	_ =	shalt  }
.Lfunc_end0:
.L_simem_size_0:
called_computation.1_lowered:
.L_overlay_start_0:
0x88: {  	s2 =	sld [smem:$0x3FD9]  }
0x89: {  	s3 =	sld [smem:$0x3FFE];
	_ =	sdelay $0x1  }
0x8a: {  	s1 =	srdreg.scid  }
0x8b: {  	s0 =	sand.u32 $0x1, s1  }
0x8c: {  	s17 =	sshll.u32 s0, $0xA;
	s2 =	sadd.s32 s3, s2  }
0x8d: {  	s2 =	sadd.s32 s2, s17  }
0x8e: {  	[smem:$0x3FC6] =	sst s2  }
0x8f: {  	_ = 	snop  }
0x90: {  	s2 =	sld [smem:$0x3FD0];
	(tm) =	ssettm $0x1  }
0x91: {  	s18 =	sld [smem:$0x3FFB];
	_ =	sdelay $0x3  }
0x92: {  	_ =	strace s18  }
0x93: {  	s3 =	sld [smem:$0x3FFC];
	_ =	sdelay $0x3  }
0x94: {  	_ =	strace s3  }
0x95: {  	s3 =	sld [smem:$0x3FFD];
	_ =	sdelay $0x3  }
0x96: {  	_ =	strace s3  }
0x97: {  	_ =	strace $0x8FFFFFFF  }
0x98: {  	s19 =	sld [smem:$0x3FDB];
	_ =	sdelay $0x1  }
0x99: {  	s4 =	simm.s32 $_scs_section_size  }
0x9a: {  	s5 =	simm.s32 $_size__tile_overlayer_lowered;
	s6 =	simm.s32 $_tile_overlayer_lowered  }
0x9b: {  	s22 =	simm.s32 $0x1BFF;
	s21 =	sshll.u32 s6, $0x1;
	s3 =	sadd.s32 s4, s19  }
0x9c: {  	s7 =	simm.s32 $0x0;
	s20 =	sshll.u32 s5, $0x1;
	s5 =	sadd.s32 s21, s3  }
0x9d: {  	[timem:s7], [sflag:s22] =	dma.local [hbm:s5], s20  }
0x9e: {  	_ =	swait.ge [sflag:s22], s20  }
0x9f: {  	s4 =	ssub.s32 $0x0, s20;
	[sflag:s22] =	ssyncset.done $0x0  }
0xa0: {  	[sflag:s22] =	ssyncadd.s32 s4;
	_ =	sdelay $0x1  }
0xa1: {  	s23 =	simm.s32 $0x1B8B  }
0xa2: {  	_ =	swait.ge [sflag:s23], $0x1  }
0xa3: {  	[sflag:s23] =	ssyncset.done $0x0  }
0xa4: {  	s25 =	simm.s32 $0x1B8E;
	s24 =	sld [smem:$0x3FFE];
	[sflag:s23] =	ssyncadd.s32 $0xFFFFFFFF  }
0xa5: {  	s26 =	simm.s32 $execute0_lowered;
	[smem:$0x3FD2] =	sst s25  }
0xa6: {  	s5 =	sshll.u32 s26, $0x1;
	_ =	strace $0x80000046;
	[dreg:$0x1] =	wrdreg $0xFFFFFFFF  }
0xa7: {  	s28 =	simm.s32 $_size_execute0_lowered;
	s3 =	sadd.s32 s3, s5;
	[dreg:$0x0] =	wrdreg $0x0  }
0xa8: {  	s5 =	sshll.u32 s28, $0x1;
	[dreg:$0x2] =	wrdreg s3  }
0xa9: {  	[dreg:$0x3] =	wrdreg s5  }
0xaa: {  	[dreg:$0x4] =	wrdreg $0xC0  }
0xab: {  	_ =	task [dreg:s7], $0x5FFFF  }
0xac: {  	[dreg:$0x1] =	wrdreg $0xFFFFFFFF  }
0xad: {  	[dreg:$0x0] =	wrdreg $0x60  }
0xae: {  	[dreg:$0x2] =	wrdreg s24  }
0xaf: {  	[dreg:$0x3] =	wrdreg s2  }
0xb0: {  	[dreg:$0x4] =	wrdreg $0x9  }
0xb1: {  	_ =	task.clear_ibuf [dreg:s7], $0x5FFFF;
	_ =	strace $0x90000046  }
0xb2: {  	s29 =	simm.s32 $0x9;
	_ =	strace $0x80000048  }
0xb3: {  	_ =	swait.ge [sflag:s29], $0x1  }
0xb4: {  	[sflag:s29] =	ssyncadd.s32 $0xFFFFFFFF  }
0xb5: {  	_ =	strace $0x90000048  }
0xb6: {  	_ =	sfence  }
0xb7: {  	s30 =	sld [smem:$0x0];
	_ =	sdelay $0x2  }
0xb8: {  	s31 =	sshll.u32 s1, $0xD;
	s1 =	sshrl.u32 s1, $0x2  }
0xb9: {  	s3 =	sand.u32 $0x4000, s31;
	s1 =	sadd.s32 s1, s30  }
0xba: {  	s0 =	sor.u32 s3, s0;
	s1 =	sshll.u32 s1, $0x11  }
0xbb: {  	s0 =	sor.u32 s1, s0  }
0xbc: {  	s0 =	sadd.s32 $0x8F2B, s0  }
0xbd: {  	[sflag:s0] =	ssyncadd.remote.s32 $0x1  }
0xbe: {  	_ =	sfence.sel $0xFFFF  }
0xbf: {  	[dreg:$0x0] =	wrdreg $0xFFFFFFFF;
	(pc) =	sbr.abs _section_cstart, $3  }
0xc0: {  	[dreg:$0x1] =	wrdreg $0xFFFFFFFF  }
0xc1: {  	_ =	task.clear_ibuf [dreg:s7], $0x2FFFF;
	_ =	strace $0x9FFFFFFF  }
0xc2: {  	(tm) =	ssettm $0x7FFFFFFF  }
0xc3: {  	_ =	shalt  }
tec
execute0_lowered:
.L_overlay_start_1:
0x0: {  	(tag) =	ssettag $0x1  }
0x1: {  	s0 =	srdreg.scid;
	s17 =	stileid.u32  }
0x2: {  	s3 =	rddreg [dreg:$0x0];
	s0 =	sand.u32 $0x1, s0;
	s1 =	sshll.u32 s17, $0x1  }
0x3: {  	s4 =	rddreg [dreg:$0x1];
	s1 =	sor.u32 s0, s1  }
0x4: {  	s2 =	simm.s32 $0x0;
	s31 =	simm.s32 $0x9;
	s5 =	smul.u32 $0x320, s1  }
0x5: {  	s26 =	simm.s32 $0x320;
	s8 =	simm.s32 $0x14500;
	s6 =	smul.u32 $0x64000, s1  }
0x6: {  	s30 =	simm.s32 $0x640;
	[smem:$0x7FF] =	sst s2;
	s1 =	smul.u32 $0xC800, s1  }
0x7: {  	s7 =	simm.s32 $0x6;
	_ =	strace $0x80000047;
	[dreg:$0x14] =	wrdreg s26  }
0x8: {  	s5 =	sadd.s32 s5, s3;
	s6 =	sshrl.u32 s6, $0x3;
	s1 =	sadd.s32 s4, s1  }
0x9: {  	s5 =	sadd.s32 $0x800, s5;
	s4 =	sadd.s32 s4, s6;
	[dreg:$0x4] =	wrdreg s1  }
0xa: {  	s29 =	simm.s32 $0x7D0;
	[dreg:$0x3] =	wrdreg s5;
	s9 =	sadd.s32 $0xC80, s4  }
0xb: {  	s28 =	simm.s32 $0x960;
	s10 =	sadd.s32 $0x1900, s4;
	[dreg:$0x5] =	wrdreg s9  }
0xc: {  	p0 =	por $0x0, $0x0;
	s11 =	sadd.s32 $0x2580, s4;
	[dreg:$0x6] =	wrdreg s10  }
0xd: {  	s0 =	ssub.s32 $0x2, s0;
	s12 =	sadd.s32 $0x3200, s4;
	[dreg:$0x7] =	wrdreg s11  }
0xe: {  	s26 =	simm.s32 $0xAF0;
	s13 =	sadd.s32 $0x3E80, s4;
	[dreg:$0x8] =	wrdreg s12  }
0xf: {  	s23 =	sshrl.u32 s0, $0x1;
	s14 =	sadd.s32 $0x4B00, s4;
	[dreg:$0x9] =	wrdreg s13  }
0x10: {  	s0 =	ssub.s32 s0, s23;
	s15 =	sadd.s32 $0x5780, s4;
	[dreg:$0xa] =	wrdreg s14  }
0x11: {  	s23 =	simm.s32 $0xFA0;
	s16 =	sadd.s32 $0x6400, s4;
	[dreg:$0xb] =	wrdreg s15  }
0x12: {  	s3 =	sadd.s32 $0x6C00, s3;
	s18 =	sadd.s32 $0x7080, s4;
	[dreg:$0xc] =	wrdreg s16  }
0x13: {  	s0 =	smax.u32 s0, $0x1;
	s19 =	sadd.s32 $0x7D00, s4;
	[dreg:$0xd] =	wrdreg s18  }
0x14: {  	s6 =	simm.s32 $0x5;
	s20 =	sadd.s32 $0x8980, s4;
	[dreg:$0xe] =	wrdreg s19  }
0x15: {  	p1 =	sne.s32 s0, $0x1;
	s21 =	sadd.s32 $0x9600, s4;
	[dreg:$0xf] =	wrdreg s20  }
0x16: {  	s1 =	sadd.s32 $0xFFFFFFFF, s0;
	s22 =	sadd.s32 $0xA280, s4;
	[dreg:$0x10] =	wrdreg s21  }
0x17: {  	s24 =	sadd.s32 $0xAF00, s4;
	s25 =	sadd.s32 $0xBB80, s4;
	[dreg:$0x11] =	wrdreg s22  }
0x18: {  	s5 =	simm.s32 $0x7;
	s4 =	simm.s32 $0x8;
	[dreg:$0x12] =	wrdreg s24  }
0x19: {  	[dreg:$0x13] =	wrdreg s25;
	s9 =	simm.s32 $0x190;
	s15 =	simm.s32 $0x1900  }
.Ltmp0:
0x1a: {  	s12 =	simm.s32 $0x7D00;
	s16 =	simm.s32 $0x1;
	(pc) =	sbr.rel @!p1 .LBB2_1-.Ltmp0, $4  }
0x1b: {  	s10 =	simm.s32 $0xE100;
	s14 =	simm.s32 $0x2;
	s13 =	simm.s32 $0x3  }
0x1c: {  	s11 =	simm.s32 $0x4;
	s25 =	simm.s32 $0xC80;
	s24 =	simm.s32 $0xE10  }
0x1d: {  	s22 =	simm.s32 $0x1130;
	s21 =	simm.s32 $0x12C0;
	s20 =	simm.s32 $0x1450  }
0x1e: {  	s19 =	simm.s32 $0x15E0;
	s18 =	simm.s32 $0x1770;
	s0 =	rddreg [dreg:$0x3]  }
0x1f: {  	[tilespmem:s2], [sflag:$0x9] =	stream.linear.gather [hbm4b:s0+s2], $0x1900, $0x38;
	[tilespmem:$0x1A900] =	vst v63  }
0x20: {  	_ =	swait.ge [sflag:s31], $0x1900  }
0x21: {  	[sflag:s31] =	ssyncset.done $0x0  }
0x22: {  	[sflag:s31] =	ssyncadd.s32 $0xFFFFE700  }
0x23: {  	[tilespmem:s15], [sflag:$0x1] =	stream.indirect.gather [hbm4b:s3+s9], $0x40, s2, s9, $0xb8;
	[tilespmem:$0x1A900] =	vst v63  }
0x24: {  	_ = 	snop  }
0x25: {  	[tilespmem:s12], [sflag:$0x2] =	stream.indirect.gather [hbm4b:s3+s9], $0x40, s9, s9, $0xb8;
	[tilespmem:$0x1A900] =	vst v63  }
0x26: {  	_ =	swait.ge [sflag:s16], $0x6400  }
0x27: {  	[sflag:s16] =	ssyncset.done $0x0  }
0x28: {  	s0 =	rddreg [dreg:$0x4];
	[sflag:s16] =	ssyncadd.s32 $0xFFFF9C00  }
0x29: {  	[hbm4b:s0+s2] =	stream.linear.scatter [tilespmem:s15], [sflag:$0x5], $0x6400, $0x38;
	[tilespmem:$0x1A900] =	vst v63  }
0x2a: {  	s17 =	smov.u32 s1;
	s1 =	rddreg [dreg:$0x14]  }
0x2b: {  	[tilespmem:s10], [sflag:$0x3] =	stream.indirect.gather [hbm4b:s3+s9], $0x40, s1, s9, $0xb8;
	[tilespmem:$0x1A900] =	vst v63  }
0x2c: {  	_ =	swait.ge [sflag:s14], $0x6400  }
0x2d: {  	[sflag:s14] =	ssyncset.done $0x0  }
0x2e: {  	s1 =	rddreg [dreg:$0x5];
	[sflag:s14] =	ssyncadd.s32 $0xFFFF9C00  }
0x2f: {  	[hbm4b:s1+s2] =	stream.linear.scatter [tilespmem:s12], [sflag:$0x6], $0x6400, $0x38;
	[tilespmem:$0x1A900] =	vst v63  }
0x30: {  	s1 =	simm.s32 $0x4B0  }
0x31: {  	[tilespmem:s8], [sflag:$0x4] =	stream.indirect.gather [hbm4b:s3+s9], $0x40, s1, s9, $0xb8;
	[tilespmem:$0x1A900] =	vst v63  }
0x32: {  	_ =	swait.ge [sflag:s13], $0x6400  }
0x33: {  	[sflag:s13] =	ssyncset.done $0x0  }
0x34: {  	s1 =	rddreg [dreg:$0x6];
	[sflag:s13] =	ssyncadd.s32 $0xFFFF9C00  }
0x35: {  	[hbm4b:s1+s2] =	stream.linear.scatter [tilespmem:s10], [sflag:$0x7], $0x6400, $0x38;
	[tilespmem:$0x1A900] =	vst v63  }
0x36: {  	_ =	swait.ge [sflag:s6], $0x6400  }
0x37: {  	[sflag:s6] =	ssyncset.done $0x0  }
0x38: {  	[sflag:s6] =	ssyncadd.s32 $0xFFFF9C00  }
0x39: {  	[tilespmem:s15], [sflag:$0x1] =	stream.indirect.gather [hbm4b:s3+s9], $0x40, s30, s9, $0xb8;
	[tilespmem:$0x1A900] =	vst v63  }
0x3a: {  	_ =	swait.ge [sflag:s11], $0x6400  }
0x3b: {  	[sflag:s11] =	ssyncset.done $0x0  }
0x3c: {  	s1 =	rddreg [dreg:$0x7];
	[sflag:s11] =	ssyncadd.s32 $0xFFFF9C00  }
0x3d: {  	[hbm4b:s1+s2] =	stream.linear.scatter [tilespmem:s8], [sflag:$0x8], $0x6400, $0x38;
	[tilespmem:$0x1A900] =	vst v63  }
0x3e: {  	_ =	swait.ge [sflag:s7], $0x6400  }
0x3f: {  	[sflag:s7] =	ssyncset.done $0x0  }
0x40: {  	[sflag:s7] =	ssyncadd.s32 $0xFFFF9C00  }
0x41: {  	[tilespmem:s12], [sflag:$0x2] =	stream.indirect.gather [hbm4b:s3+s9], $0x40, s29, s9, $0xb8;
	[tilespmem:$0x1A900] =	vst v63  }
0x42: {  	_ =	swait.ge [sflag:s16], $0x6400  }
0x43: {  	[sflag:s16] =	ssyncset.done $0x0  }
0x44: {  	s1 =	rddreg [dreg:$0x8];
	[sflag:s16] =	ssyncadd.s32 $0xFFFF9C00  }
0x45: {  	[hbm4b:s1+s2] =	stream.linear.scatter [tilespmem:s15], [sflag:$0x5], $0x6400, $0x38;
	[tilespmem:$0x1A900] =	vst v63  }
0x46: {  	_ =	swait.ge [sflag:s5], $0x6400  }
0x47: {  	[sflag:s5] =	ssyncset.done $0x0  }
0x48: {  	[sflag:s5] =	ssyncadd.s32 $0xFFFF9C00  }
0x49: {  	[tilespmem:s10], [sflag:$0x3] =	stream.indirect.gather [hbm4b:s3+s9], $0x40, s28, s9, $0xb8;
	[tilespmem:$0x1A900] =	vst v63  }
0x4a: {  	_ =	swait.ge [sflag:s14], $0x6400  }
0x4b: {  	[sflag:s14] =	ssyncset.done $0x0  }
0x4c: {  	s1 =	rddreg [dreg:$0x9];
	[sflag:s14] =	ssyncadd.s32 $0xFFFF9C00  }
0x4d: {  	[hbm4b:s1+s2] =	stream.linear.scatter [tilespmem:s12], [sflag:$0x6], $0x6400, $0x38;
	[tilespmem:$0x1A900] =	vst v63  }
0x4e: {  	_ =	swait.ge [sflag:s4], $0x6400  }
0x4f: {  	[sflag:s4] =	ssyncset.done $0x0  }
0x50: {  	[sflag:s4] =	ssyncadd.s32 $0xFFFF9C00  }
0x51: {  	[tilespmem:s8], [sflag:$0x4] =	stream.indirect.gather [hbm4b:s3+s9], $0x40, s26, s9, $0xb8;
	[tilespmem:$0x1A900] =	vst v63  }
0x52: {  	_ =	swait.ge [sflag:s13], $0x6400  }
0x53: {  	[sflag:s13] =	ssyncset.done $0x0  }
0x54: {  	s1 =	rddreg [dreg:$0xa];
	[sflag:s13] =	ssyncadd.s32 $0xFFFF9C00  }
0x55: {  	[hbm4b:s1+s2] =	stream.linear.scatter [tilespmem:s10], [sflag:$0x7], $0x6400, $0x38;
	[tilespmem:$0x1A900] =	vst v63  }
0x56: {  	_ =	swait.ge [sflag:s6], $0x6400  }
0x57: {  	[sflag:s6] =	ssyncset.done $0x0  }
0x58: {  	[sflag:s6] =	ssyncadd.s32 $0xFFFF9C00  }
0x59: {  	[tilespmem:s15], [sflag:$0x1] =	stream.indirect.gather [hbm4b:s3+s9], $0x40, s25, s9, $0xb8;
	[tilespmem:$0x1A900] =	vst v63  }
0x5a: {  	_ =	swait.ge [sflag:s11], $0x6400  }
0x5b: {  	[sflag:s11] =	ssyncset.done $0x0  }
0x5c: {  	s1 =	rddreg [dreg:$0xb];
	[sflag:s11] =	ssyncadd.s32 $0xFFFF9C00  }
0x5d: {  	[hbm4b:s1+s2] =	stream.linear.scatter [tilespmem:s8], [sflag:$0x8], $0x6400, $0x38;
	[tilespmem:$0x1A900] =	vst v63  }
0x5e: {  	_ =	swait.ge [sflag:s7], $0x6400  }
0x5f: {  	[sflag:s7] =	ssyncset.done $0x0  }
0x60: {  	[sflag:s7] =	ssyncadd.s32 $0xFFFF9C00  }
0x61: {  	[tilespmem:s12], [sflag:$0x2] =	stream.indirect.gather [hbm4b:s3+s9], $0x40, s24, s9, $0xb8;
	[tilespmem:$0x1A900] =	vst v63  }
0x62: {  	_ =	swait.ge [sflag:s16], $0x6400  }
0x63: {  	[sflag:s16] =	ssyncset.done $0x0  }
0x64: {  	s1 =	rddreg [dreg:$0xc];
	[sflag:s16] =	ssyncadd.s32 $0xFFFF9C00  }
0x65: {  	[hbm4b:s1+s2] =	stream.linear.scatter [tilespmem:s15], [sflag:$0x5], $0x6400, $0x38;
	[tilespmem:$0x1A900] =	vst v63  }
0x66: {  	_ =	swait.ge [sflag:s5], $0x6400  }
0x67: {  	[sflag:s5] =	ssyncset.done $0x0  }
0x68: {  	[sflag:s5] =	ssyncadd.s32 $0xFFFF9C00  }
0x69: {  	[tilespmem:s10], [sflag:$0x3] =	stream.indirect.gather [hbm4b:s3+s9], $0x40, s23, s9, $0xb8;
	[tilespmem:$0x1A900] =	vst v63  }
0x6a: {  	_ =	swait.ge [sflag:s14], $0x6400  }
0x6b: {  	[sflag:s14] =	ssyncset.done $0x0  }
0x6c: {  	s1 =	rddreg [dreg:$0xd];
	[sflag:s14] =	ssyncadd.s32 $0xFFFF9C00  }
0x6d: {  	[hbm4b:s1+s2] =	stream.linear.scatter [tilespmem:s12], [sflag:$0x6], $0x6400, $0x38;
	[tilespmem:$0x1A900] =	vst v63  }
0x6e: {  	_ =	swait.ge [sflag:s4], $0x6400  }
0x6f: {  	[sflag:s4] =	ssyncset.done $0x0  }
0x70: {  	[sflag:s4] =	ssyncadd.s32 $0xFFFF9C00  }
0x71: {  	[tilespmem:s8], [sflag:$0x4] =	stream.indirect.gather [hbm4b:s3+s9], $0x40, s22, s9, $0xb8;
	[tilespmem:$0x1A900] =	vst v63  }
0x72: {  	_ =	swait.ge [sflag:s13], $0x6400  }
0x73: {  	[sflag:s13] =	ssyncset.done $0x0  }
0x74: {  	s1 =	rddreg [dreg:$0xe];
	[sflag:s13] =	ssyncadd.s32 $0xFFFF9C00  }
0x75: {  	[hbm4b:s1+s2] =	stream.linear.scatter [tilespmem:s10], [sflag:$0x7], $0x6400, $0x38;
	[tilespmem:$0x1A900] =	vst v63  }
0x76: {  	_ =	swait.ge [sflag:s6], $0x6400  }
0x77: {  	[sflag:s6] =	ssyncset.done $0x0  }
0x78: {  	[sflag:s6] =	ssyncadd.s32 $0xFFFF9C00  }
0x79: {  	[tilespmem:s15], [sflag:$0x1] =	stream.indirect.gather [hbm4b:s3+s9], $0x40, s21, s9, $0xb8;
	[tilespmem:$0x1A900] =	vst v63  }
0x7a: {  	_ =	swait.ge [sflag:s11], $0x6400  }
0x7b: {  	[sflag:s11] =	ssyncset.done $0x0  }
0x7c: {  	s1 =	rddreg [dreg:$0xf];
	[sflag:s11] =	ssyncadd.s32 $0xFFFF9C00  }
0x7d: {  	[hbm4b:s1+s2] =	stream.linear.scatter [tilespmem:s8], [sflag:$0x8], $0x6400, $0x38;
	[tilespmem:$0x1A900] =	vst v63  }
0x7e: {  	_ =	swait.ge [sflag:s7], $0x6400  }
0x7f: {  	[sflag:s7] =	ssyncset.done $0x0  }
0x80: {  	[sflag:s7] =	ssyncadd.s32 $0xFFFF9C00  }
0x81: {  	[tilespmem:s12], [sflag:$0x2] =	stream.indirect.gather [hbm4b:s3+s9], $0x40, s20, s9, $0xb8;
	[tilespmem:$0x1A900] =	vst v63  }
0x82: {  	_ =	swait.ge [sflag:s16], $0x6400  }
0x83: {  	[sflag:s16] =	ssyncset.done $0x0  }
0x84: {  	s1 =	rddreg [dreg:$0x10];
	[sflag:s16] =	ssyncadd.s32 $0xFFFF9C00  }
0x85: {  	[hbm4b:s1+s2] =	stream.linear.scatter [tilespmem:s15], [sflag:$0x5], $0x6400, $0x38;
	[tilespmem:$0x1A900] =	vst v63  }
0x86: {  	_ =	swait.ge [sflag:s5], $0x6400  }
0x87: {  	[sflag:s5] =	ssyncset.done $0x0  }
0x88: {  	[sflag:s5] =	ssyncadd.s32 $0xFFFF9C00  }
0x89: {  	[tilespmem:s10], [sflag:$0x3] =	stream.indirect.gather [hbm4b:s3+s9], $0x40, s19, s9, $0xb8;
	[tilespmem:$0x1A900] =	vst v63  }
0x8a: {  	_ =	swait.ge [sflag:s14], $0x6400  }
0x8b: {  	[sflag:s14] =	ssyncset.done $0x0  }
0x8c: {  	s1 =	rddreg [dreg:$0x11];
	[sflag:s14] =	ssyncadd.s32 $0xFFFF9C00  }
0x8d: {  	[hbm4b:s1+s2] =	stream.linear.scatter [tilespmem:s12], [sflag:$0x6], $0x6400, $0x38;
	[tilespmem:$0x1A900] =	vst v63  }
0x8e: {  	_ =	swait.ge [sflag:s4], $0x6400  }
0x8f: {  	[sflag:s4] =	ssyncset.done $0x0  }
0x90: {  	[sflag:s4] =	ssyncadd.s32 $0xFFFF9C00  }
0x91: {  	[tilespmem:s8], [sflag:$0x4] =	stream.indirect.gather [hbm4b:s3+s9], $0x40, s18, s9, $0xb8;
	[tilespmem:$0x1A900] =	vst v63  }
0x92: {  	_ =	swait.ge [sflag:s13], $0x6400  }
0x93: {  	[sflag:s13] =	ssyncset.done $0x0  }
0x94: {  	s1 =	rddreg [dreg:$0x12];
	[sflag:s13] =	ssyncadd.s32 $0xFFFF9C00  }
0x95: {  	[hbm4b:s1+s2] =	stream.linear.scatter [tilespmem:s10], [sflag:$0x7], $0x6400, $0x38;
	[tilespmem:$0x1A900] =	vst v63  }
0x96: {  	_ =	swait.ge [sflag:s11], $0x6400  }
0x97: {  	[sflag:s11] =	ssyncset.done $0x0  }
0x98: {  	s1 =	rddreg [dreg:$0x13];
	[sflag:s11] =	ssyncadd.s32 $0xFFFF9C00  }
0x99: {  	[hbm4b:s1+s2] =	stream.linear.scatter [tilespmem:s8], [sflag:$0x8], $0x6400, $0x38;
	[tilespmem:$0x1A900] =	vst v63  }
0x9a: {  	_ =	swait.ge [sflag:s6], $0x6400  }
0x9b: {  	[sflag:s6] =	ssyncset.done $0x0  }
0x9c: {  	[sflag:s6] =	ssyncadd.s32 $0xFFFF9C00  }
0x9d: {  	_ =	swait.ge [sflag:s7], $0x6400  }
0x9e: {  	[sflag:s7] =	ssyncset.done $0x0  }
0x9f: {  	p1 =	sne.s32 s17, $0x1;
	[sflag:s7] =	ssyncadd.s32 $0xFFFF9C00  }
.Ltmp1:
0xa0: {  	_ =	swait.ge [sflag:s5], $0x6400;
	(pc) =	sbr.rel @!p1 .LBB2_3-.Ltmp1, $4  }
0xa1: {  	[sflag:s5] =	ssyncset.done $0x0  }
0xa2: {  	[sflag:s5] =	ssyncadd.s32 $0xFFFF9C00  }
0xa3: {  	p0 =	por $0x1, $0x1;
	_ =	swait.ge [sflag:s4], $0x6400  }
0xa4: {  	s1 =	sadd.s32 $0xFFFFFFFF, s17;
	s0 =	rddreg [dreg:$0x3];
	[sflag:s4] =	ssyncset.done $0x0  }
.LBB2_4:
0xa5: {  	[sflag:s4] =	ssyncadd.s32 $0xFFFF9C00  }
0xa6: {  	[tilespmem:s2], [sflag:$0x9] =	stream.linear.gather [hbm4b:s0+s2], $0x1900, $0x38;
	[tilespmem:$0x1A900] =	vst v63  }
0xa7: {  	_ =	swait.ge [sflag:s31], $0x1900  }
0xa8: {  	[sflag:s31] =	ssyncset.done $0x0  }
0xa9: {  	[sflag:s31] =	ssyncadd.s32 $0xFFFFE700  }
0xaa: {  	[tilespmem:s15], [sflag:$0x1] =	stream.indirect.gather [hbm4b:s3+s9], $0x40, s2, s9, $0xb8;
	[tilespmem:$0x1A900] =	vst v63  }
0xab: {  	_ = 	snop  }
0xac: {  	[tilespmem:s12], [sflag:$0x2] =	stream.indirect.gather [hbm4b:s3+s9], $0x40, s9, s9, $0xb8;
	[tilespmem:$0x1A900] =	vst v63  }
0xad: {  	_ =	swait.ge [sflag:s16], $0x6400  }
0xae: {  	[sflag:s16] =	ssyncset.done $0x0  }
0xaf: {  	s0 =	rddreg [dreg:$0x4];
	[sflag:s16] =	ssyncadd.s32 $0xFFFF9C00  }
0xb0: {  	[hbm4b:s0+s2] =	stream.linear.scatter [tilespmem:s15], [sflag:$0x5], $0x6400, $0x38;
	[tilespmem:$0x1A900] =	vst v63  }
0xb1: {  	s17 =	rddreg [dreg:$0x14]  }
0xb2: {  	[tilespmem:s10], [sflag:$0x3] =	stream.indirect.gather [hbm4b:s3+s9], $0x40, s17, s9, $0xb8;
	[tilespmem:$0x1A900] =	vst v63  }
0xb3: {  	_ =	swait.ge [sflag:s14], $0x6400  }
0xb4: {  	[sflag:s14] =	ssyncset.done $0x0  }
0xb5: {  	s17 =	rddreg [dreg:$0x5];
	[sflag:s14] =	ssyncadd.s32 $0xFFFF9C00  }
0xb6: {  	[hbm4b:s17+s2] =	stream.linear.scatter [tilespmem:s12], [sflag:$0x6], $0x6400, $0x38;
	[tilespmem:$0x1A900] =	vst v63  }
0xb7: {  	s17 =	simm.s32 $0x4B0  }
0xb8: {  	[tilespmem:s8], [sflag:$0x4] =	stream.indirect.gather [hbm4b:s3+s9], $0x40, s17, s9, $0xb8;
	[tilespmem:$0x1A900] =	vst v63  }
0xb9: {  	_ =	swait.ge [sflag:s13], $0x6400  }
0xba: {  	[sflag:s13] =	ssyncset.done $0x0  }
0xbb: {  	s17 =	rddreg [dreg:$0x6];
	[sflag:s13] =	ssyncadd.s32 $0xFFFF9C00  }
0xbc: {  	[hbm4b:s17+s2] =	stream.linear.scatter [tilespmem:s10], [sflag:$0x7], $0x6400, $0x38;
	[tilespmem:$0x1A900] =	vst v63  }
0xbd: {  	_ =	swait.ge [sflag:s6], $0x6400  }
0xbe: {  	[sflag:s6] =	ssyncset.done $0x0  }
0xbf: {  	[sflag:s6] =	ssyncadd.s32 $0xFFFF9C00  }
0xc0: {  	[tilespmem:s15], [sflag:$0x1] =	stream.indirect.gather [hbm4b:s3+s9], $0x40, s30, s9, $0xb8;
	[tilespmem:$0x1A900] =	vst v63  }
0xc1: {  	_ =	swait.ge [sflag:s11], $0x6400  }
0xc2: {  	[sflag:s11] =	ssyncset.done $0x0  }
0xc3: {  	s17 =	rddreg [dreg:$0x7];
	[sflag:s11] =	ssyncadd.s32 $0xFFFF9C00  }
0xc4: {  	[hbm4b:s17+s2] =	stream.linear.scatter [tilespmem:s8], [sflag:$0x8], $0x6400, $0x38;
	[tilespmem:$0x1A900] =	vst v63  }
0xc5: {  	_ =	swait.ge [sflag:s7], $0x6400  }
0xc6: {  	[sflag:s7] =	ssyncset.done $0x0  }
0xc7: {  	[sflag:s7] =	ssyncadd.s32 $0xFFFF9C00  }
0xc8: {  	[tilespmem:s12], [sflag:$0x2] =	stream.indirect.gather [hbm4b:s3+s9], $0x40, s29, s9, $0xb8;
	[tilespmem:$0x1A900] =	vst v63  }
0xc9: {  	_ =	swait.ge [sflag:s16], $0x6400  }
0xca: {  	[sflag:s16] =	ssyncset.done $0x0  }
0xcb: {  	s17 =	rddreg [dreg:$0x8];
	[sflag:s16] =	ssyncadd.s32 $0xFFFF9C00  }
0xcc: {  	[hbm4b:s17+s2] =	stream.linear.scatter [tilespmem:s15], [sflag:$0x5], $0x6400, $0x38;
	[tilespmem:$0x1A900] =	vst v63  }
0xcd: {  	_ =	swait.ge [sflag:s5], $0x6400  }
0xce: {  	[sflag:s5] =	ssyncset.done $0x0  }
0xcf: {  	[sflag:s5] =	ssyncadd.s32 $0xFFFF9C00  }
0xd0: {  	[tilespmem:s10], [sflag:$0x3] =	stream.indirect.gather [hbm4b:s3+s9], $0x40, s28, s9, $0xb8;
	[tilespmem:$0x1A900] =	vst v63  }
0xd1: {  	_ =	swait.ge [sflag:s14], $0x6400  }
0xd2: {  	[sflag:s14] =	ssyncset.done $0x0  }
0xd3: {  	s17 =	rddreg [dreg:$0x9];
	[sflag:s14] =	ssyncadd.s32 $0xFFFF9C00  }
0xd4: {  	[hbm4b:s17+s2] =	stream.linear.scatter [tilespmem:s12], [sflag:$0x6], $0x6400, $0x38;
	[tilespmem:$0x1A900] =	vst v63  }
0xd5: {  	_ =	swait.ge [sflag:s4], $0x6400  }
0xd6: {  	[sflag:s4] =	ssyncset.done $0x0  }
0xd7: {  	[sflag:s4] =	ssyncadd.s32 $0xFFFF9C00  }
0xd8: {  	[tilespmem:s8], [sflag:$0x4] =	stream.indirect.gather [hbm4b:s3+s9], $0x40, s26, s9, $0xb8;
	[tilespmem:$0x1A900] =	vst v63  }
0xd9: {  	_ =	swait.ge [sflag:s13], $0x6400  }
0xda: {  	[sflag:s13] =	ssyncset.done $0x0  }
0xdb: {  	s17 =	rddreg [dreg:$0xa];
	[sflag:s13] =	ssyncadd.s32 $0xFFFF9C00  }
0xdc: {  	[hbm4b:s17+s2] =	stream.linear.scatter [tilespmem:s10], [sflag:$0x7], $0x6400, $0x38;
	[tilespmem:$0x1A900] =	vst v63  }
0xdd: {  	_ =	swait.ge [sflag:s6], $0x6400  }
0xde: {  	[sflag:s6] =	ssyncset.done $0x0  }
0xdf: {  	[sflag:s6] =	ssyncadd.s32 $0xFFFF9C00  }
0xe0: {  	[tilespmem:s15], [sflag:$0x1] =	stream.indirect.gather [hbm4b:s3+s9], $0x40, s25, s9, $0xb8;
	[tilespmem:$0x1A900] =	vst v63  }
0xe1: {  	_ =	swait.ge [sflag:s11], $0x6400  }
0xe2: {  	[sflag:s11] =	ssyncset.done $0x0  }
0xe3: {  	s17 =	rddreg [dreg:$0xb];
	[sflag:s11] =	ssyncadd.s32 $0xFFFF9C00  }
0xe4: {  	[hbm4b:s17+s2] =	stream.linear.scatter [tilespmem:s8], [sflag:$0x8], $0x6400, $0x38;
	[tilespmem:$0x1A900] =	vst v63  }
0xe5: {  	_ =	swait.ge [sflag:s7], $0x6400  }
0xe6: {  	[sflag:s7] =	ssyncset.done $0x0  }
0xe7: {  	[sflag:s7] =	ssyncadd.s32 $0xFFFF9C00  }
0xe8: {  	[tilespmem:s12], [sflag:$0x2] =	stream.indirect.gather [hbm4b:s3+s9], $0x40, s24, s9, $0xb8;
	[tilespmem:$0x1A900] =	vst v63  }
0xe9: {  	_ =	swait.ge [sflag:s16], $0x6400  }
0xea: {  	[sflag:s16] =	ssyncset.done $0x0  }
0xeb: {  	s17 =	rddreg [dreg:$0xc];
	[sflag:s16] =	ssyncadd.s32 $0xFFFF9C00  }
0xec: {  	[hbm4b:s17+s2] =	stream.linear.scatter [tilespmem:s15], [sflag:$0x5], $0x6400, $0x38;
	[tilespmem:$0x1A900] =	vst v63  }
0xed: {  	_ =	swait.ge [sflag:s5], $0x6400  }
0xee: {  	[sflag:s5] =	ssyncset.done $0x0  }
0xef: {  	[sflag:s5] =	ssyncadd.s32 $0xFFFF9C00  }
0xf0: {  	[tilespmem:s10], [sflag:$0x3] =	stream.indirect.gather [hbm4b:s3+s9], $0x40, s23, s9, $0xb8;
	[tilespmem:$0x1A900] =	vst v63  }
0xf1: {  	_ =	swait.ge [sflag:s14], $0x6400  }
0xf2: {  	[sflag:s14] =	ssyncset.done $0x0  }
0xf3: {  	s17 =	rddreg [dreg:$0xd];
	[sflag:s14] =	ssyncadd.s32 $0xFFFF9C00  }
0xf4: {  	[hbm4b:s17+s2] =	stream.linear.scatter [tilespmem:s12], [sflag:$0x6], $0x6400, $0x38;
	[tilespmem:$0x1A900] =	vst v63  }
0xf5: {  	_ =	swait.ge [sflag:s4], $0x6400  }
0xf6: {  	[sflag:s4] =	ssyncset.done $0x0  }
0xf7: {  	[sflag:s4] =	ssyncadd.s32 $0xFFFF9C00  }
0xf8: {  	[tilespmem:s8], [sflag:$0x4] =	stream.indirect.gather [hbm4b:s3+s9], $0x40, s22, s9, $0xb8;
	[tilespmem:$0x1A900] =	vst v63  }
0xf9: {  	_ =	swait.ge [sflag:s13], $0x6400  }
0xfa: {  	[sflag:s13] =	ssyncset.done $0x0  }
0xfb: {  	s17 =	rddreg [dreg:$0xe];
	[sflag:s13] =	ssyncadd.s32 $0xFFFF9C00  }
0xfc: {  	[hbm4b:s17+s2] =	stream.linear.scatter [tilespmem:s10], [sflag:$0x7], $0x6400, $0x38;
	[tilespmem:$0x1A900] =	vst v63  }
0xfd: {  	_ =	swait.ge [sflag:s6], $0x6400  }
0xfe: {  	[sflag:s6] =	ssyncset.done $0x0  }
0xff: {  	[sflag:s6] =	ssyncadd.s32 $0xFFFF9C00  }
0x100: {  	[tilespmem:s15], [sflag:$0x1] =	stream.indirect.gather [hbm4b:s3+s9], $0x40, s21, s9, $0xb8;
	[tilespmem:$0x1A900] =	vst v63  }
0x101: {  	_ =	swait.ge [sflag:s11], $0x6400  }
0x102: {  	[sflag:s11] =	ssyncset.done $0x0  }
0x103: {  	s17 =	rddreg [dreg:$0xf];
	[sflag:s11] =	ssyncadd.s32 $0xFFFF9C00  }
0x104: {  	[hbm4b:s17+s2] =	stream.linear.scatter [tilespmem:s8], [sflag:$0x8], $0x6400, $0x38;
	[tilespmem:$0x1A900] =	vst v63  }
0x105: {  	_ =	swait.ge [sflag:s7], $0x6400  }
0x106: {  	[sflag:s7] =	ssyncset.done $0x0  }
0x107: {  	[sflag:s7] =	ssyncadd.s32 $0xFFFF9C00  }
0x108: {  	[tilespmem:s12], [sflag:$0x2] =	stream.indirect.gather [hbm4b:s3+s9], $0x40, s20, s9, $0xb8;
	[tilespmem:$0x1A900] =	vst v63  }
0x109: {  	_ =	swait.ge [sflag:s16], $0x6400  }
0x10a: {  	[sflag:s16] =	ssyncset.done $0x0  }
0x10b: {  	s17 =	rddreg [dreg:$0x10];
	[sflag:s16] =	ssyncadd.s32 $0xFFFF9C00  }
0x10c: {  	[hbm4b:s17+s2] =	stream.linear.scatter [tilespmem:s15], [sflag:$0x5], $0x6400, $0x38;
	[tilespmem:$0x1A900] =	vst v63  }
0x10d: {  	_ =	swait.ge [sflag:s5], $0x6400  }
0x10e: {  	[sflag:s5] =	ssyncset.done $0x0  }
0x10f: {  	[sflag:s5] =	ssyncadd.s32 $0xFFFF9C00  }
0x110: {  	[tilespmem:s10], [sflag:$0x3] =	stream.indirect.gather [hbm4b:s3+s9], $0x40, s19, s9, $0xb8;
	[tilespmem:$0x1A900] =	vst v63  }
0x111: {  	_ =	swait.ge [sflag:s14], $0x6400  }
0x112: {  	[sflag:s14] =	ssyncset.done $0x0  }
0x113: {  	s17 =	rddreg [dreg:$0x11];
	[sflag:s14] =	ssyncadd.s32 $0xFFFF9C00  }
0x114: {  	[hbm4b:s17+s2] =	stream.linear.scatter [tilespmem:s12], [sflag:$0x6], $0x6400, $0x38;
	[tilespmem:$0x1A900] =	vst v63  }
0x115: {  	_ =	swait.ge [sflag:s4], $0x6400  }
0x116: {  	[sflag:s4] =	ssyncset.done $0x0  }
0x117: {  	[sflag:s4] =	ssyncadd.s32 $0xFFFF9C00  }
0x118: {  	[tilespmem:s8], [sflag:$0x4] =	stream.indirect.gather [hbm4b:s3+s9], $0x40, s18, s9, $0xb8;
	[tilespmem:$0x1A900] =	vst v63  }
0x119: {  	_ =	swait.ge [sflag:s13], $0x6400  }
0x11a: {  	[sflag:s13] =	ssyncset.done $0x0  }
0x11b: {  	s17 =	rddreg [dreg:$0x12];
	[sflag:s13] =	ssyncadd.s32 $0xFFFF9C00  }
0x11c: {  	[hbm4b:s17+s2] =	stream.linear.scatter [tilespmem:s10], [sflag:$0x7], $0x6400, $0x38;
	[tilespmem:$0x1A900] =	vst v63  }
0x11d: {  	_ =	swait.ge [sflag:s11], $0x6400  }
0x11e: {  	[sflag:s11] =	ssyncset.done $0x0  }
0x11f: {  	s17 =	rddreg [dreg:$0x13];
	[sflag:s11] =	ssyncadd.s32 $0xFFFF9C00  }
0x120: {  	[hbm4b:s17+s2] =	stream.linear.scatter [tilespmem:s8], [sflag:$0x8], $0x6400, $0x38;
	[tilespmem:$0x1A900] =	vst v63  }
0x121: {  	_ =	swait.ge [sflag:s6], $0x6400  }
0x122: {  	[sflag:s6] =	ssyncset.done $0x0  }
0x123: {  	[sflag:s6] =	ssyncadd.s32 $0xFFFF9C00  }
0x124: {  	_ =	swait.ge [sflag:s7], $0x6400  }
0x125: {  	[sflag:s7] =	ssyncset.done $0x0  }
0x126: {  	p1 =	sne.s32 s1, $0x1;
	[sflag:s7] =	ssyncadd.s32 $0xFFFF9C00  }
.Ltmp2:
0x127: {  	_ =	swait.ge [sflag:s5], $0x6400;
	(pc) =	sbr.rel @p1 .LBB2_4-.Ltmp2, $4  }
0x128: {  	[sflag:s5] =	ssyncset.done $0x0  }
0x129: {  	[sflag:s5] =	ssyncadd.s32 $0xFFFF9C00  }
0x12a: {  	_ =	swait.ge [sflag:s4], $0x6400  }
0x12b: {  	s1 =	sadd.s32 $0xFFFFFFFF, s1;
	s0 =	rddreg [dreg:$0x3];
	[sflag:s4] =	ssyncset.done $0x0  }
0x12c: {  	s18 =	simm.s32 $0x4B0  }
0x12d: {  	s30 =	simm.s32 $0x640;
	s29 =	simm.s32 $0x7D0;
	s28 =	simm.s32 $0x960  }
0x12e: {  	s26 =	simm.s32 $0xAF0;
	s25 =	simm.s32 $0xC80;
	s24 =	simm.s32 $0xE10  }
0x12f: {  	s23 =	simm.s32 $0xFA0;
	s22 =	simm.s32 $0x1130;
	s21 =	simm.s32 $0x12C0  }
0x130: {  	s20 =	simm.s32 $0x1450;
	s19 =	simm.s32 $0x15E0;
	s17 =	stileid.u32  }
.LBB2_6:
0x131: {  	[sflag:s4] =	ssyncadd.s32 @p0 $0xFFFF9C00  }
0x132: {  	[tilespmem:s2], [sflag:$0x9] =	stream.linear.gather [hbm4b:s0+s2], $0x1900, $0x38;
	[tilespmem:$0x1A900] =	vst v63  }
0x133: {  	_ =	swait.ge [sflag:s31], $0x1900  }
0x134: {  	[sflag:s31] =	ssyncset.done $0x0  }
0x135: {  	[sflag:s31] =	ssyncadd.s32 $0xFFFFE700  }
0x136: {  	[tilespmem:s15], [sflag:$0x1] =	stream.indirect.gather [hbm4b:s3+s9], $0x40, s2, s9, $0xb8;
	[tilespmem:$0x1A900] =	vst v63  }
0x137: {  	_ = 	snop  }
0x138: {  	[tilespmem:s12], [sflag:$0x2] =	stream.indirect.gather [hbm4b:s3+s9], $0x40, s9, s9, $0xb8;
	[tilespmem:$0x1A900] =	vst v63  }
0x139: {  	_ =	swait.ge [sflag:s16], $0x6400  }
0x13a: {  	[sflag:s16] =	ssyncset.done $0x0  }
0x13b: {  	s31 =	rddreg [dreg:$0x4];
	[sflag:s16] =	ssyncadd.s32 $0xFFFF9C00  }
0x13c: {  	[hbm4b:s31+s2] =	stream.linear.scatter [tilespmem:s15], [sflag:$0x5], $0x6400, $0x38;
	[tilespmem:$0x1A900] =	vst v63  }
0x13d: {  	s1 =	rddreg [dreg:$0x14]  }
0x13e: {  	[tilespmem:s10], [sflag:$0x3] =	stream.indirect.gather [hbm4b:s3+s9], $0x40, s1, s9, $0xb8;
	[tilespmem:$0x1A900] =	vst v63  }
0x13f: {  	_ =	swait.ge [sflag:s14], $0x6400  }
0x140: {  	[sflag:s14] =	ssyncset.done $0x0  }
0x141: {  	s31 =	rddreg [dreg:$0x5];
	[sflag:s14] =	ssyncadd.s32 $0xFFFF9C00  }
0x142: {  	[hbm4b:s31+s2] =	stream.linear.scatter [tilespmem:s12], [sflag:$0x6], $0x6400, $0x38;
	[tilespmem:$0x1A900] =	vst v63  }
0x143: {  	_ = 	snop  }
0x144: {  	[tilespmem:s8], [sflag:$0x4] =	stream.indirect.gather [hbm4b:s3+s9], $0x40, s18, s9, $0xb8;
	[tilespmem:$0x1A900] =	vst v63  }
0x145: {  	_ =	swait.ge [sflag:s13], $0x6400  }
0x146: {  	[sflag:s13] =	ssyncset.done $0x0  }
0x147: {  	s1 =	rddreg [dreg:$0x6];
	[sflag:s13] =	ssyncadd.s32 $0xFFFF9C00  }
0x148: {  	[hbm4b:s1+s2] =	stream.linear.scatter [tilespmem:s10], [sflag:$0x7], $0x6400, $0x38;
	[tilespmem:$0x1A900] =	vst v63  }
0x149: {  	_ =	swait.ge [sflag:s6], $0x6400  }
0x14a: {  	[sflag:s6] =	ssyncset.done $0x0  }
0x14b: {  	[sflag:s6] =	ssyncadd.s32 $0xFFFF9C00  }
0x14c: {  	[tilespmem:s15], [sflag:$0x1] =	stream.indirect.gather [hbm4b:s3+s9], $0x40, s30, s9, $0xb8;
	[tilespmem:$0x1A900] =	vst v63  }
0x14d: {  	_ =	swait.ge [sflag:s11], $0x6400  }
0x14e: {  	[sflag:s11] =	ssyncset.done $0x0  }
0x14f: {  	s18 =	rddreg [dreg:$0x7];
	[sflag:s11] =	ssyncadd.s32 $0xFFFF9C00  }
0x150: {  	[hbm4b:s18+s2] =	stream.linear.scatter [tilespmem:s8], [sflag:$0x8], $0x6400, $0x38;
	[tilespmem:$0x1A900] =	vst v63  }
0x151: {  	_ =	swait.ge [sflag:s7], $0x6400  }
0x152: {  	[sflag:s7] =	ssyncset.done $0x0  }
0x153: {  	[sflag:s7] =	ssyncadd.s32 $0xFFFF9C00  }
0x154: {  	[tilespmem:s12], [sflag:$0x2] =	stream.indirect.gather [hbm4b:s3+s9], $0x40, s29, s9, $0xb8;
	[tilespmem:$0x1A900] =	vst v63  }
0x155: {  	_ =	swait.ge [sflag:s16], $0x6400  }
0x156: {  	[sflag:s16] =	ssyncset.done $0x0  }
0x157: {  	s29 =	rddreg [dreg:$0x8];
	[sflag:s16] =	ssyncadd.s32 $0xFFFF9C00  }
0x158: {  	[hbm4b:s29+s2] =	stream.linear.scatter [tilespmem:s15], [sflag:$0x5], $0x6400, $0x38;
	[tilespmem:$0x1A900] =	vst v63  }
0x159: {  	_ =	swait.ge [sflag:s5], $0x6400  }
0x15a: {  	[sflag:s5] =	ssyncset.done $0x0  }
0x15b: {  	[sflag:s5] =	ssyncadd.s32 $0xFFFF9C00  }
0x15c: {  	[tilespmem:s10], [sflag:$0x3] =	stream.indirect.gather [hbm4b:s3+s9], $0x40, s28, s9, $0xb8;
	[tilespmem:$0x1A900] =	vst v63  }
0x15d: {  	_ =	swait.ge [sflag:s14], $0x6400  }
0x15e: {  	[sflag:s14] =	ssyncset.done $0x0  }
0x15f: {  	s30 =	rddreg [dreg:$0x9];
	[sflag:s14] =	ssyncadd.s32 $0xFFFF9C00  }
0x160: {  	[hbm4b:s30+s2] =	stream.linear.scatter [tilespmem:s12], [sflag:$0x6], $0x6400, $0x38;
	[tilespmem:$0x1A900] =	vst v63  }
0x161: {  	_ =	swait.ge [sflag:s4], $0x6400  }
0x162: {  	[sflag:s4] =	ssyncset.done $0x0  }
0x163: {  	[sflag:s4] =	ssyncadd.s32 $0xFFFF9C00  }
0x164: {  	[tilespmem:s8], [sflag:$0x4] =	stream.indirect.gather [hbm4b:s3+s9], $0x40, s26, s9, $0xb8;
	[tilespmem:$0x1A900] =	vst v63  }
0x165: {  	_ =	swait.ge [sflag:s13], $0x6400  }
0x166: {  	[sflag:s13] =	ssyncset.done $0x0  }
0x167: {  	s31 =	rddreg [dreg:$0xa];
	[sflag:s13] =	ssyncadd.s32 $0xFFFF9C00  }
0x168: {  	[hbm4b:s31+s2] =	stream.linear.scatter [tilespmem:s10], [sflag:$0x7], $0x6400, $0x38;
	[tilespmem:$0x1A900] =	vst v63  }
0x169: {  	_ =	swait.ge [sflag:s6], $0x6400  }
0x16a: {  	[sflag:s6] =	ssyncset.done $0x0  }
0x16b: {  	[sflag:s6] =	ssyncadd.s32 $0xFFFF9C00  }
0x16c: {  	[tilespmem:s15], [sflag:$0x1] =	stream.indirect.gather [hbm4b:s3+s9], $0x40, s25, s9, $0xb8;
	[tilespmem:$0x1A900] =	vst v63  }
0x16d: {  	_ =	swait.ge [sflag:s11], $0x6400  }
0x16e: {  	[sflag:s11] =	ssyncset.done $0x0  }
0x16f: {  	s1 =	rddreg [dreg:$0xb];
	[sflag:s11] =	ssyncadd.s32 $0xFFFF9C00  }
0x170: {  	[hbm4b:s1+s2] =	stream.linear.scatter [tilespmem:s8], [sflag:$0x8], $0x6400, $0x38;
	[tilespmem:$0x1A900] =	vst v63  }
0x171: {  	_ =	swait.ge [sflag:s7], $0x6400  }
0x172: {  	[sflag:s7] =	ssyncset.done $0x0  }
0x173: {  	[sflag:s7] =	ssyncadd.s32 $0xFFFF9C00  }
0x174: {  	[tilespmem:s12], [sflag:$0x2] =	stream.indirect.gather [hbm4b:s3+s9], $0x40, s24, s9, $0xb8;
	[tilespmem:$0x1A900] =	vst v63  }
0x175: {  	_ =	swait.ge [sflag:s16], $0x6400  }
0x176: {  	[sflag:s16] =	ssyncset.done $0x0  }
0x177: {  	s18 =	rddreg [dreg:$0xc];
	[sflag:s16] =	ssyncadd.s32 $0xFFFF9C00  }
0x178: {  	[hbm4b:s18+s2] =	stream.linear.scatter [tilespmem:s15], [sflag:$0x5], $0x6400, $0x38;
	[tilespmem:$0x1A900] =	vst v63  }
0x179: {  	_ =	swait.ge [sflag:s5], $0x6400  }
0x17a: {  	[sflag:s5] =	ssyncset.done $0x0  }
0x17b: {  	[sflag:s5] =	ssyncadd.s32 $0xFFFF9C00  }
0x17c: {  	[tilespmem:s10], [sflag:$0x3] =	stream.indirect.gather [hbm4b:s3+s9], $0x40, s23, s9, $0xb8;
	[tilespmem:$0x1A900] =	vst v63  }
0x17d: {  	_ =	swait.ge [sflag:s14], $0x6400  }
0x17e: {  	[sflag:s14] =	ssyncset.done $0x0  }
0x17f: {  	s23 =	rddreg [dreg:$0xd];
	[sflag:s14] =	ssyncadd.s32 $0xFFFF9C00  }
0x180: {  	[hbm4b:s23+s2] =	stream.linear.scatter [tilespmem:s12], [sflag:$0x6], $0x6400, $0x38;
	[tilespmem:$0x1A900] =	vst v63  }
0x181: {  	_ =	swait.ge [sflag:s4], $0x6400  }
0x182: {  	[sflag:s4] =	ssyncset.done $0x0  }
0x183: {  	[sflag:s4] =	ssyncadd.s32 $0xFFFF9C00  }
0x184: {  	[tilespmem:s8], [sflag:$0x4] =	stream.indirect.gather [hbm4b:s3+s9], $0x40, s22, s9, $0xb8;
	[tilespmem:$0x1A900] =	vst v63  }
0x185: {  	_ =	swait.ge [sflag:s13], $0x6400  }
0x186: {  	[sflag:s13] =	ssyncset.done $0x0  }
0x187: {  	s24 =	rddreg [dreg:$0xe];
	[sflag:s13] =	ssyncadd.s32 $0xFFFF9C00  }
0x188: {  	[hbm4b:s24+s2] =	stream.linear.scatter [tilespmem:s10], [sflag:$0x7], $0x6400, $0x38;
	[tilespmem:$0x1A900] =	vst v63  }
0x189: {  	_ =	swait.ge [sflag:s6], $0x6400  }
0x18a: {  	[sflag:s6] =	ssyncset.done $0x0  }
0x18b: {  	[sflag:s6] =	ssyncadd.s32 $0xFFFF9C00  }
0x18c: {  	[tilespmem:s15], [sflag:$0x1] =	stream.indirect.gather [hbm4b:s3+s9], $0x40, s21, s9, $0xb8;
	[tilespmem:$0x1A900] =	vst v63  }
0x18d: {  	_ =	swait.ge [sflag:s11], $0x6400  }
0x18e: {  	[sflag:s11] =	ssyncset.done $0x0  }
0x18f: {  	s25 =	rddreg [dreg:$0xf];
	[sflag:s11] =	ssyncadd.s32 $0xFFFF9C00  }
0x190: {  	[hbm4b:s25+s2] =	stream.linear.scatter [tilespmem:s8], [sflag:$0x8], $0x6400, $0x38;
	[tilespmem:$0x1A900] =	vst v63  }
0x191: {  	_ =	swait.ge [sflag:s7], $0x6400  }
0x192: {  	[sflag:s7] =	ssyncset.done $0x0  }
0x193: {  	[sflag:s7] =	ssyncadd.s32 $0xFFFF9C00  }
0x194: {  	[tilespmem:s12], [sflag:$0x2] =	stream.indirect.gather [hbm4b:s3+s9], $0x40, s20, s9, $0xb8;
	[tilespmem:$0x1A900] =	vst v63  }
0x195: {  	_ =	swait.ge [sflag:s16], $0x6400  }
0x196: {  	[sflag:s16] =	ssyncset.done $0x0  }
0x197: {  	s26 =	rddreg [dreg:$0x10];
	[sflag:s16] =	ssyncadd.s32 $0xFFFF9C00  }
0x198: {  	[hbm4b:s26+s2] =	stream.linear.scatter [tilespmem:s15], [sflag:$0x5], $0x6400, $0x38;
	[tilespmem:$0x1A900] =	vst v63  }
0x199: {  	_ =	swait.ge [sflag:s5], $0x6400  }
0x19a: {  	[sflag:s5] =	ssyncset.done $0x0  }
0x19b: {  	[sflag:s5] =	ssyncadd.s32 $0xFFFF9C00  }
0x19c: {  	[tilespmem:s10], [sflag:$0x3] =	stream.indirect.gather [hbm4b:s3+s9], $0x40, s19, s9, $0xb8;
	[tilespmem:$0x1A900] =	vst v63  }
0x19d: {  	_ =	swait.ge [sflag:s14], $0x6400  }
0x19e: {  	[sflag:s14] =	ssyncset.done $0x0  }
0x19f: {  	s28 =	rddreg [dreg:$0x11];
	[sflag:s14] =	ssyncadd.s32 $0xFFFF9C00  }
0x1a0: {  	[hbm4b:s28+s2] =	stream.linear.scatter [tilespmem:s12], [sflag:$0x6], $0x6400, $0x38;
	[tilespmem:$0x1A900] =	vst v63  }
0x1a1: {  	_ =	swait.ge [sflag:s4], $0x6400  }
0x1a2: {  	[sflag:s4] =	ssyncset.done $0x0  }
0x1a3: {  	s29 =	simm.s32 $0x1770;
	[sflag:s4] =	ssyncadd.s32 $0xFFFF9C00  }
0x1a4: {  	[tilespmem:s8], [sflag:$0x4] =	stream.indirect.gather [hbm4b:s3+s9], $0x40, s29, s9, $0xb8;
	[tilespmem:$0x1A900] =	vst v63  }
0x1a5: {  	_ =	swait.ge [sflag:s13], $0x6400  }
0x1a6: {  	[sflag:s13] =	ssyncset.done $0x0  }
0x1a7: {  	s30 =	rddreg [dreg:$0x12];
	[sflag:s13] =	ssyncadd.s32 $0xFFFF9C00  }
0x1a8: {  	[hbm4b:s30+s2] =	stream.linear.scatter [tilespmem:s10], [sflag:$0x7], $0x6400, $0x38;
	[tilespmem:$0x1A900] =	vst v63  }
0x1a9: {  	_ =	swait.ge [sflag:s11], $0x6400  }
0x1aa: {  	[sflag:s11] =	ssyncset.done $0x0  }
0x1ab: {  	s31 =	rddreg [dreg:$0x13];
	[sflag:s11] =	ssyncadd.s32 $0xFFFF9C00  }
0x1ac: {  	[hbm4b:s31+s2] =	stream.linear.scatter [tilespmem:s8], [sflag:$0x8], $0x6400, $0x38;
	[tilespmem:$0x1A900] =	vst v63  }
0x1ad: {  	_ =	swait.ge [sflag:s6], $0x6400  }
0x1ae: {  	[sflag:s6] =	ssyncset.done $0x0  }
0x1af: {  	[sflag:s6] =	ssyncadd.s32 $0xFFFF9C00  }
0x1b0: {  	_ =	swait.ge [sflag:s7], $0x6400  }
0x1b1: {  	[sflag:s7] =	ssyncset.done $0x0  }
0x1b2: {  	[sflag:s7] =	ssyncadd.s32 $0xFFFF9C00  }
0x1b3: {  	_ =	swait.ge [sflag:s5], $0x6400  }
0x1b4: {  	[sflag:s5] =	ssyncset.done $0x0  }
0x1b5: {  	[sflag:s5] =	ssyncadd.s32 $0xFFFF9C00  }
0x1b6: {  	_ =	swait.ge [sflag:s4], $0x6400  }
0x1b7: {  	[sflag:s4] =	ssyncset.done $0x0  }
0x1b8: {  	[sflag:s4] =	ssyncadd.s32 $0xFFFF9C00  }
0x1b9: {  	_ =	sfence.sel $0x180000  }
0x1ba: {  	[bflag:$0x0] =	sbarrier.arrive $0xFFFF  }
0x1bb: {  	_ =	strace $0x90000047  }
0x1bc: {  	[bflag:$0x2] =	sbarrier.arrive $0xFFFF  }
0x1bd: {  	p0 =	sne.s32 s17, $0x0;
	s0 =	rddreg [dreg:$0x2]  }
0x1be: {  	s0 =	sadd.s32 @!p0 $0x100000, s0  }
0x1bf: {  	[sflag:s0] =	ssyncadd.tile.s32 @!p0 $0x1;
	_ =	shalt  }
.LBB2_1:
.Ltmp3:
0x1c0: {  	(pc) =	sbr.rel .LBB2_6-.Ltmp3, $4  }
0x1c1: {  	s18 =	simm.s32 $0x4B0;
	s30 =	simm.s32 $0x640;
	s29 =	simm.s32 $0x7D0  }
0x1c2: {  	s28 =	simm.s32 $0x960;
	s26 =	simm.s32 $0xAF0;
	s25 =	simm.s32 $0xC80  }
0x1c3: {  	s24 =	simm.s32 $0xE10;
	s23 =	simm.s32 $0xFA0;
	s22 =	simm.s32 $0x1130  }
0x1c4: {  	s21 =	simm.s32 $0x12C0;
	s20 =	simm.s32 $0x1450;
	s19 =	simm.s32 $0x15E0  }
.LBB2_3:
.Ltmp4:
0x1c5: {  	s18 =	simm.s32 $0x4B0;
	(pc) =	sbr.rel .LBB2_6-.Ltmp4, $4  }
0x1c6: {  	s30 =	simm.s32 $0x640;
	s29 =	simm.s32 $0x7D0;
	s28 =	simm.s32 $0x960  }
0x1c7: {  	s26 =	simm.s32 $0xAF0;
	s25 =	simm.s32 $0xC80;
	s24 =	simm.s32 $0xE10  }
0x1c8: {  	s23 =	simm.s32 $0xFA0;
	s22 =	simm.s32 $0x1130;
	s21 =	simm.s32 $0x12C0  }
0x1c9: {  	s20 =	simm.s32 $0x1450;
	s19 =	simm.s32 $0x15E0;
	s17 =	stileid.u32  }
.Lfunc_end2:
_tile_overlayer_lowered:
.L_overlay_start_2:
0x1ca: {  	(tag) =	ssettag $0x2  }
0x1cb: {  	s0 =	rddreg [dreg:$0x0];
	s2 =	stileid.u32  }
0x1cc: {  	s1 =	rddreg [dreg:$0x1];
	p0 =	sne.s32 s2, $0x0  }
0x1cd: {  	s3 =	rddreg [dreg:$0x2];
	[bflag:$0x3] =	sbarrier.arrive $0xFFFF;
	s2 =	simm.s32 @!p0 $0x1C09  }
0x1ce: {  	[timem:s3], [sflag:s2] =	dma.local @!p0 [hbm:s0], s1  }
0x1cf: {  	s0 =	simm.s32 @!p0 $0x9  }
0x1d0: {  	_ =	swait.ge @!p0 [sflag:s0], s1  }
0x1d1: {  	s1 =	ssub.s32 @!p0 $0x0, s1;
	[sflag:s0] =	ssyncset.done @!p0 $0x0  }
0x1d2: {  	[sflag:s0] =	ssyncadd.s32 @!p0 s1  }
0x1d3: {  	[bflag:$0x3] =	sbarrier.arrive $0xFFFF  }
0x1d4: {  	_ =	shalt  }

// kernel: sparse-core-data-format-call.cloned.1.call-start
scs
called_computation_lowered:
.L_overlay_start_0:
0x0: {  	s2 =	sld [smem:$0x3FD9]  }
0x1: {  	s3 =	sld [smem:$0x3FFE];
	_ =	sdelay $0x1  }
0x2: {  	s1 =	srdreg.scid  }
0x3: {  	s0 =	sand.u32 $0x1, s1  }
0x4: {  	s18 =	sshll.u32 s0, $0xA;
	s2 =	sadd.s32 s3, s2  }
0x5: {  	s2 =	sadd.s32 s2, s18  }
0x6: {  	[smem:$0x3FC6] =	sst s2  }
0x7: {  	_ = 	snop  }
0x8: {  	s2 =	sld [smem:$0x3FD0];
	(tm) =	ssettm $0x1  }
0x9: {  	s19 =	sld [smem:$0x3FFB];
	_ =	sdelay $0x3  }
0xa: {  	_ =	strace s19  }
0xb: {  	s3 =	sld [smem:$0x3FFC];
	_ =	sdelay $0x3  }
0xc: {  	_ =	strace s3  }
0xd: {  	s3 =	sld [smem:$0x3FFD];
	_ =	sdelay $0x3  }
0xe: {  	_ =	strace s3  }
0xf: {  	_ =	strace $0x8FFFFFFF  }
0x10: {  	s20 =	sld [smem:$0x3FDB];
	_ =	sdelay $0x1  }
0x11: {  	s4 =	simm.s32 $_scs_section_size  }
0x12: {  	s5 =	simm.s32 $_size__tile_overlayer_lowered;
	s6 =	simm.s32 $_tile_overlayer_lowered  }
0x13: {  	s23 =	simm.s32 $0x1BFF;
	s22 =	sshll.u32 s6, $0x1;
	s3 =	sadd.s32 s4, s20  }
0x14: {  	s7 =	simm.s32 $0x0;
	s21 =	sshll.u32 s5, $0x1;
	s5 =	sadd.s32 s22, s3  }
0x15: {  	[timem:s7], [sflag:s23] =	dma.local [hbm:s5], s21  }
0x16: {  	_ =	swait.ge [sflag:s23], s21  }
0x17: {  	s4 =	ssub.s32 $0x0, s21;
	[sflag:s23] =	ssyncset.done $0x0  }
0x18: {  	[sflag:s23] =	ssyncadd.s32 s4;
	_ =	sdelay $0x1  }
0x19: {  	s24 =	simm.s32 $0x1B8B  }
0x1a: {  	_ =	swait.ge [sflag:s24], $0x1  }
0x1b: {  	[sflag:s24] =	ssyncset.done $0x0  }
0x1c: {  	s26 =	simm.s32 $0x1B8E;
	s25 =	sld [smem:$0x3FFE];
	[sflag:s24] =	ssyncadd.s32 $0xFFFFFFFF  }
0x1d: {  	s27 =	simm.s32 $execute0_lowered;
	[smem:$0x3FD2] =	sst s26  }
0x1e: {  	s5 =	sshll.u32 s27, $0x1;
	_ =	strace $0x80000049;
	[dreg:$0x1] =	wrdreg $0xFFFFFFFF  }
0x1f: {  	s28 =	simm.s32 $_size_execute0_lowered;
	s3 =	sadd.s32 s3, s5;
	[dreg:$0x0] =	wrdreg $0x0  }
0x20: {  	s5 =	sshll.u32 s28, $0x1;
	[dreg:$0x2] =	wrdreg s3  }
0x21: {  	[dreg:$0x3] =	wrdreg s5  }
0x22: {  	[dreg:$0x4] =	wrdreg $0xC0  }
0x23: {  	_ =	task [dreg:s7], $0x5FFFF  }
0x24: {  	[dreg:$0x1] =	wrdreg $0xFFFFFFFF  }
0x25: {  	[dreg:$0x0] =	wrdreg $0x60  }
0x26: {  	[dreg:$0x2] =	wrdreg s25  }
0x27: {  	[dreg:$0x3] =	wrdreg s2  }
0x28: {  	[dreg:$0x4] =	wrdreg $0x9  }
0x29: {  	_ =	task.clear_ibuf [dreg:s7], $0x5FFFF;
	_ =	strace $0x90000049  }
0x2a: {  	s29 =	simm.s32 $0x9;
	_ =	strace $0x8000004B  }
0x2b: {  	_ =	swait.ge [sflag:s29], $0x1  }
0x2c: {  	[sflag:s29] =	ssyncadd.s32 $0xFFFFFFFF  }
0x2d: {  	_ =	strace $0x9000004B  }
0x2e: {  	_ =	sfence  }
0x2f: {  	s30 =	sld [smem:$0x0];
	_ =	sdelay $0x2  }
0x30: {  	s31 =	sshll.u32 s1, $0xD;
	s1 =	sshrl.u32 s1, $0x2  }
0x31: {  	s3 =	sand.u32 $0x4000, s31;
	s1 =	sadd.s32 s1, s30  }
0x32: {  	s0 =	sor.u32 s3, s0;
	s1 =	sshll.u32 s1, $0x11  }
0x33: {  	s0 =	sor.u32 s1, s0  }
0x34: {  	s0 =	sadd.s32 $0x8F2B, s0  }
0x35: {  	[sflag:s0] =	ssyncadd.remote.s32 $0x1  }
0x36: {  	_ =	sfence.sel $0xFFFF  }
0x37: {  	[dreg:$0x0] =	wrdreg $0xFFFFFFFF;
	(pc) =	sbr.abs _section_cstart, $3  }
0x38: {  	[dreg:$0x1] =	wrdreg $0xFFFFFFFF  }
0x39: {  	_ =	task.clear_ibuf [dreg:s7], $0x2FFFF;
	_ =	strace $0x9FFFFFFF  }
0x3a: {  	(tm) =	ssettm $0x7FFFFFFF  }
0x3b: {  	_ =	shalt  }
tec
execute0_lowered:
.L_overlay_start_1:
0x0: {  	(tag) =	ssettag $0x1  }
0x1: {  	s0 =	srdreg.scid  }
0x2: {  	s1 =	sshll.u32 s0, $0x4  }
0x3: {  	s0 =	stileid.u32;
	s1 =	sand.u32 $0x10, s1  }
0x4: {  	s1 =	sor.u32 s0, s1  }
0x5: {  	s6 =	rddreg [dreg:$0x0];
	s4 =	simm.s32 $0x1;
	s2 =	sshll.u32 s1, $0x7  }
0x6: {  	s7 =	simm.s32 $0x2;
	s12 =	simm.s32 $0x0;
	s1 =	ssub.s32 $0x1000, s2  }
0x7: {  	s8 =	simm.s32 $0x8000;
	s13 =	simm.s32 $0x0;
	s3 =	sand.u32 $0xF80, s1  }
0x8: {  	s9 =	simm.s32 $0x0;
	s5 =	sshrl.u32 s1, $0xC;
	p0 =	sne.s32 s3, $0x0  }
.Ltmp0:
0x9: {  	s1 =	rddreg [dreg:$0x2];
	s4 =	simm.s32 @!p0 $0x0;
	(pc) =	sbr.rel .LBB1_1-.Ltmp0, $4  }
0xa: {  	s11 =	simm.s32 $0x0;
	s3 =	rddreg [dreg:$0x1];
	s5 =	sadd.s32 s4, s5  }
0xb: {  	_ =	strace $0x8000004A;
	s4 =	simm.s32 $0x1;
	s5 =	smul.u32 $0x32, s5  }
0xc: {  	s6 =	sadd.s32 $0x800, s6;
	s10 =	smov.u32 s2;
	[sflag:s4] =	ssyncpa.u1 $0x0  }
0xd: {  	p0 =	por $0x0, $0x0;
	[sflag:s7] =	ssyncpa.u1 $0x0;
	s7 =	sor.u32 $0x1, s5  }
.LBB1_4:
0xe: {  	s16 =	sshll.u32 s13, $0x3;
	s17 =	sand.u32 $0x78, s13  }
0xf: {  	s30 =	sand.u32 $0x7E00, s13;
	s12 =	sshll.u32 s12, $0xF;
	s16 =	sand.u32 $0xC00, s16  }
0x10: {  	[tilespmem:s15+$0x810 ss:$0x81] =	vst.msk $0xffff, v2;
	s31 =	sand.u32 $0x7, s13;
	s16 =	sor.u32 s17, s16;
	s17 =	sadd.s32 s3, s30  }
0x11: {  	[tilespmem:s15+$0x1020 ss:$0x81] =	vst.msk $0xffff, v0;
	s13 =	sshll.u32 s31, $0x12;
	s12 =	sadd.s32 s12, s17;
	s16 =	sshrl.u32 s16, $0x3  }
0x12: {  	[tilespmem:s15+$0x0 ss:$0x81] =	vst.msk $0xffff, v1;
	s13 =	sor.u32 $0x400, s13;
	s12 =	sadd.s32 s16, s12  }
0x13: {  	[hbm4b:s12+s13] =	stream.strided.scatter [tilespmem:s14], [sflag:$0x2], $0x2000, s8, s13, $0x20;
	[tilespmem:$0x8080] =	vst v63  }
.LBB1_5:
0x14: {  	s14 =	sadd.s32 $0x1, s9  }
0x15: {  	s12 =	sadd.s32 $0x1000, s10;
	s16 =	smov.u32 s10;
	p2 =	sgt.s32 s14, $0x31  }
0x16: {  	s16 =	smov.u32 @p2 s12  }
0x17: {  	s14 =	simm.s32 @p2 $0x0;
	p2 =	sgt.s32 s16, $0xFFF  }
0x18: {  	s16 =	smov.u32 @p2 s2;
	p2 =	sne.s32 s11, s7  }
.Ltmp1:
0x19: {  	p1 =	slt.u32 s11, $0x2;
	(pc) =	sbr.rel @!p2 .LBB1_6-.Ltmp1, $4  }
0x1a: {  	s15 =	simm.s32 @!p1 $0x2  }
0x1b: {  	s13 =	smov.u32 s10;
	p0 =	por !p0, !p0;
	_ =	swait.ge @!p1 [sflag:s15], $0x2000  }
0x1c: {  	s12 =	smov.u32 s9;
	[sflag:s15] =	ssyncset.done @!p1 $0x0;
	s9 =	smov.u32 s14  }
0x1d: {  	s11 =	sadd.s32 $0x1, s11;
	[sflag:s15] =	ssyncadd.s32 @!p1 $0xFFFFE000;
	s10 =	smov.u32 s16  }
.LBB1_1:
0x1e: {  	p1 =	sge.u32 s11, s5  }
0x1f: {  	s14 =	sand.u32 @!p1 $0x1FFFFFF, s9  }
0x20: {  	s15 =	smulhi.u32 @!p1 $0x4924925, s14;
	_ =	sdelay $0x1  }
0x21: {  	s15 =	smul.u32 @!p1 $0x38, s15  }
0x22: {  	s16 =	sxor.u32 @!p1 $0xFFFFFFFF, s11;
	s17 =	smul.u32 @!p1 $0x380, s10  }
0x23: {  	s31 =	sadd.s32 $0xFFFFFFFF, s11;
	s16 =	sshll.u32 @!p1 s16, $0xD;
	s14 =	ssub.s32 @!p1 s14, s15  }
0x24: {  	s15 =	sand.u32 @!p1 $0x2000, s16;
	s16 =	sadd.s32 @!p1 s6, s17;
	s14 =	sshll.u32 @!p1 s14, $0x4  }
0x25: {  	s17 =	simm.s32 @!p1 $0x1C00;
	s14 =	sadd.s32 @!p1 s14, s16;
	s16 =	simm.s32 @!p1 $0x40  }
0x26: {  	[tilespmem:s15], [sflag:$0x1] =	stream.strided.gather @!p1 [hbm4b:s14+s16], $0x2000, s17, s16, $0x38;
	[tilespmem:$0x8080] =	vst v63  }
0x27: {  	p1 =	sge.u32 s31, s5  }
.Ltmp2:
0x28: {  	_ = 	snop;
	(pc) =	sbr.rel @p1 .LBB1_5-.Ltmp2, $1  }
0x29: {  	_ =	sdelay $0x3  }
0x2a: {  	s14 =	simm.s32 $0x1  }
0x2b: {  	_ =	swait.ge [sflag:s4], $0x2000;
	s14 =	simm.s32 @!p0 $0x0  }
0x2c: {  	[sflag:s4] =	ssyncset.done $0x0;
	s15 =	sshll.u32 s14, $0xD  }
0x2d: {  	[sflag:s4] =	ssyncadd.s32 $0xFFFFE000;
	s18 =	sor.u32 $0x20, s15  }
0x2e: {  	s14 =	smul.u32 $0x8100, s14;
	v3 =	vld [tilespmem:s18+$0x10]  }
0x2f: {  	s30 =	sand.u32 $0x1, s11;
	v2 =	vld [tilespmem:s18+$0xFFFFFFF0]  }
0x30: {  	s15 =	smul.u32 $0x8100, s30;
	s14 =	sshrl.u32 s14, $0x2;
	v0 =	vld [tilespmem:s18+$0x0]  }
0x31: {  	v1 =	vld [tilespmem:s18+$0xFFFFFFE0];
	s16 =	sor.u32 $0x4000, s14  }
0x32: {  	s31 =	sshrl.u32 s15, $0x2;
	s15 =	sadd.s32 $0x0, s16  }
0x33: {  	s17 =	simm.s32 $0x4;
	s18 =	sadd.s32 $0x40, s18;
	s14 =	sor.u32 $0x4000, s31;
	[tilespmem:s15+$0x1830 ss:$0x81] =	vst.msk $0xffff, v3  }
.LBB1_3:
0x34: {  	v3 =	vld [tilespmem:s18+$0x10];
	p1 =	sne.s32 s17, $0x1FC;
	[tilespmem:s15+$0x810 ss:$0x81] =	vst.msk $0xffff, v2;
	s19 =	smov.u32 s17;
	s17 =	sadd.s32 $0x4, s17  }
.Ltmp3:
0x35: {  	v2 =	vld [tilespmem:s18+$0xFFFFFFF0];
	[tilespmem:s15+$0x1020 ss:$0x81] =	vst.msk $0xffff, v0;
	(pc) =	sbr.rel @p1 .LBB1_3-.Ltmp3, $4  }
0x36: {  	v0 =	vld [tilespmem:s18+$0x0];
	[tilespmem:s15+$0x0 ss:$0x81] =	vst.msk $0xffff, v1  }
0x37: {  	s15 =	sshra.s32 s19, $0x2;
	v1 =	vld [tilespmem:s18+$0xFFFFFFE0]  }
0x38: {  	s15 =	sadd.s32 s15, s16  }
0x39: {  	s18 =	sadd.s32 $0x40, s18;
	[tilespmem:s15+$0x1830 ss:$0x81] =	vst.msk $0xffff, v3  }
.Ltmp4:
0x3a: {  	_ = 	snop;
	(pc) =	sbr.rel .LBB1_4-.Ltmp4, $1  }
0x3b: {  	_ =	sdelay $0x3  }
.LBB1_6:
0x3c: {  	_ =	sfence.sel $0x180000  }
0x3d: {  	s2 =	simm.s32 $0x1;
	[bflag:$0x0] =	sbarrier.arrive $0xFFFF  }
0x3e: {  	s31 =	simm.s32 $0x2;
	[sflag:s2] =	ssyncpa.u1 $0x1  }
0x3f: {  	[sflag:s31] =	ssyncpa.u1 $0x1  }
0x40: {  	p0 =	sne.s32 s0, $0x0;
	_ =	strace $0x9000004A  }
0x41: {  	s0 =	sadd.s32 @!p0 $0x100000, s1;
	[bflag:$0x2] =	sbarrier.arrive $0xFFFF  }
0x42: {  	[sflag:s0] =	ssyncadd.tile.s32 @!p0 $0x1;
	_ =	shalt  }
.Lfunc_end1:
_tile_overlayer_lowered:
.L_overlay_start_2:
0x43: {  	(tag) =	ssettag $0x2  }
0x44: {  	s0 =	rddreg [dreg:$0x0];
	s2 =	stileid.u32  }
0x45: {  	s1 =	rddreg [dreg:$0x1];
	p0 =	sne.s32 s2, $0x0  }
0x46: {  	s3 =	rddreg [dreg:$0x2];
	[bflag:$0x3] =	sbarrier.arrive $0xFFFF;
	s2 =	simm.s32 @!p0 $0x1C01  }
0x47: {  	[timem:s3], [sflag:s2] =	dma.local @!p0 [hbm:s0], s1  }
0x48: {  	s0 =	simm.s32 @!p0 $0x1  }
0x49: {  	_ =	swait.ge @!p0 [sflag:s0], s1  }
0x4a: {  	s1 =	ssub.s32 @!p0 $0x0, s1;
	[sflag:s0] =	ssyncset.done @!p0 $0x0  }
0x4b: {  	[sflag:s0] =	ssyncadd.s32 @!p0 s1  }
0x4c: {  	[bflag:$0x3] =	sbarrier.arrive $0xFFFF  }
0x4d: {  	_ =	shalt  }

</sc_bundles>
